<compile_context>
chip_gen: v7x
topology: tpu7x:2x2x1
jax: 0.10.2.dev20260603
libtpu: 0.0.44.dev20260713+nightly
codegen_flags: <defaults>
</compile_context>

<pallas_src>
import functools
import math

import jax
import jax.numpy as jnp
from jax import lax
from jax.experimental import pallas as pl
from jax.experimental.pallas import tpu as pltpu
from jax.experimental.pallas import tpu_sc as plsc

N_NODES = 50000
FEATDIM = 128
N_EDGES = 100000
EDGE_ORDER = 4
RANK = 50
OUTDIM = 64
HIDDEN = 128

NC = 2
NS = 16
NW = NC * NS

N_PAD = 50176
E_PAD = 102400
M_PAD = E_PAD * EDGE_ORDER

ROWS_PER_TILE = N_PAD // NW
SROWS = N_PAD // NS
M_PER_W = M_PAD // NW
GCHUNK = 800
G_ITERS = M_PER_W // GCHUNK
M_CH = E_PAD
MC_PER_T = M_CH // NS
N_PAD4 = N_PAD // 4
SROWS4 = N_PAD4 // NS
SCHUNK = 160
S_ITERS = MC_PER_T // SCHUNK
ZROWS = 56
Z_ITERS = SROWS4 // ZROWS

def _wid():
    return lax.axis_index("s") * NC + lax.axis_index("c")


def _deg_body(idx_hbm, ones_hbm, zeros_hbm, degA_hbm, degB_hbm,
              idx_v, ones_v, deg_sh):
    c = lax.axis_index("c")
    wid = _wid()
    rbase = lax.axis_index("s") * SROWS
    stage = ones_v.at[pl.ds(0, SROWS)]
    pltpu.sync_copy(zeros_hbm.at[pl.ds(rbase, SROWS)], stage)
    pltpu.sync_copy(stage, deg_sh.at[pl.ds(rbase, SROWS)])
    plsc.subcore_barrier()
    pltpu.sync_copy(idx_hbm.at[pl.ds(wid * M_PER_W, M_PER_W)], idx_v)
    pltpu.sync_copy(ones_hbm, ones_v)
    pltpu.sync_copy(ones_v, deg_sh.at[idx_v], add=True)
    plsc.subcore_barrier()
    pltpu.sync_copy(deg_sh.at[pl.ds(rbase, SROWS)], stage)

    @pl.when(c == 0)
    def _():
        pltpu.sync_copy(stage, degA_hbm.at[pl.ds(rbase, SROWS)])

    @pl.when(c == 1)
    def _():
        pltpu.sync_copy(stage, degB_hbm.at[pl.ds(rbase, SROWS)])


def _gather_body(idx_hbm, c_hbm, g_hbm, idx_v, r_v, sem):
    base = _wid() * M_PER_W

    def body(i, _):
        off = base + i * GCHUNK
        pltpu.sync_copy(idx_hbm.at[pl.ds(off, GCHUNK)], idx_v)
        pltpu.async_copy(c_hbm.at[idx_v], r_v, sem).wait()
        pltpu.sync_copy(r_v, g_hbm.at[pl.ds(off, GCHUNK)])
        return 0

    lax.fori_loop(0, G_ITERS, body, 0)


def _scatter_body(idxE_hbm, idxO_hbm, v0_hbm, v1_hbm, v2_hbm, v3_hbm,
                  zeros_hbm, sumE_hbm, sumO_hbm,
                  idx_v, val_v, stage_v, acc_sh):
    c = lax.axis_index("c")
    s = lax.axis_index("s")
    rbase = s * SROWS4

    def zinit(i, _):
        pltpu.sync_copy(zeros_hbm, stage_v)
        pltpu.sync_copy(stage_v, acc_sh.at[pl.ds(rbase + i * ZROWS, ZROWS)])
        return 0

    lax.fori_loop(0, Z_ITERS, zinit, 0)
    plsc.subcore_barrier()

    def scatter_all(idx_hbm):
        for k, v_hbm in enumerate((v0_hbm, v1_hbm, v2_hbm, v3_hbm)):
            def body(i, _):
                off = s * MC_PER_T + i * SCHUNK
                pltpu.sync_copy(idx_hbm.at[pl.ds(k * M_CH + off, SCHUNK)],
                                idx_v)
                pltpu.sync_copy(v_hbm.at[pl.ds(off, SCHUNK)], val_v)
                pltpu.sync_copy(val_v, acc_sh.at[idx_v], add=True)
                return 0
            lax.fori_loop(0, S_ITERS, body, 0)

    @pl.when(c == 0)
    def _():
        scatter_all(idxE_hbm)

    @pl.when(c == 1)
    def _():
        scatter_all(idxO_hbm)

    plsc.subcore_barrier()

    def dump(out_hbm):
        def body(i, _):
            r0 = rbase + i * ZROWS
            pltpu.sync_copy(acc_sh.at[pl.ds(r0, ZROWS)], stage_v)
            pltpu.sync_copy(stage_v, out_hbm.at[pl.ds(r0, ZROWS)])
            return 0
        lax.fori_loop(0, Z_ITERS, body, 0)

    @pl.when(c == 0)
    def _():
        dump(sumE_hbm)

    @pl.when(c == 1)
    def _():
        dump(sumO_hbm)


@functools.lru_cache(maxsize=1)
def _sc_kernels():
    mesh = plsc.VectorSubcoreMesh(
        core_axis_name="c", subcore_axis_name="s", num_cores=NC, num_subcores=NS
    )
    deg = pl.kernel(
        _deg_body,
        out_type=(
            jax.ShapeDtypeStruct((N_PAD,), jnp.float32),
            jax.ShapeDtypeStruct((N_PAD,), jnp.float32),
        ),
        mesh=mesh,
        scratch_types=[
            pltpu.VMEM((M_PER_W,), jnp.int32),
            pltpu.VMEM((M_PER_W,), jnp.float32),
            pltpu.VMEM_SHARED((N_PAD,), jnp.float32),
        ],
    )
    gather = pl.kernel(
        _gather_body,
        out_type=jax.ShapeDtypeStruct((M_PAD, 128), jnp.float32),
        mesh=mesh,
        scratch_types=[
            pltpu.VMEM((GCHUNK,), jnp.int32),
            pltpu.VMEM((GCHUNK, 128), jnp.float32),
            pltpu.SemaphoreType.DMA,
        ],
    )
    scatter = pl.kernel(
        _scatter_body,
        out_type=(
            jax.ShapeDtypeStruct((N_PAD4, 128), jnp.float32),
            jax.ShapeDtypeStruct((N_PAD4, 128), jnp.float32),
        ),
        mesh=mesh,
        scratch_types=[
            pltpu.VMEM((SCHUNK,), jnp.int32),
            pltpu.VMEM((SCHUNK, 128), jnp.float32),
            pltpu.VMEM((ZROWS, 128), jnp.float32),
            pltpu.VMEM_SHARED((N_PAD4, 128), jnp.float32),
        ],
    )
    return deg, gather, scatter


def _tables_body(emb_ref, dA_ref, dB_ref, wp_ref, bp_ref, w1_ref, b1_ref,
                 w2_ref, b2_ref, embL_ref, embR_ref, c_ref):
    emb = emb_ref[...]
    deg = jnp.maximum(dA_ref[...] + dB_ref[...], 1.0)
    t = jnp.sqrt(jnp.sqrt(deg))
    lanes = lax.broadcasted_iota(jnp.int32, (emb.shape[0], 64), 1)
    first = jnp.dot(emb, wp_ref[...], preferred_element_type=jnp.float32)
    first = first + bp_ref[...]
    first = jnp.where(lanes == 63, t, first)
    h = jnp.maximum(
        jnp.dot(emb, w1_ref[...], preferred_element_type=jnp.float32)
        + b1_ref[...], 0.0)
    c2 = jnp.dot(h, w2_ref[...],
                 preferred_element_type=jnp.float32) + b2_ref[...]
    c_ref[...] = (
        jnp.dot(first, embL_ref[...], preferred_element_type=jnp.float32)
        + jnp.dot(c2, embR_ref[...], preferred_element_type=jnp.float32))


def _build_tables(emb_pad, dA, dB, wp_pad, bp_pad, w1, b1r, w2, b2r,
                  embL, embR):
    bn = 512
    grid = (N_PAD // bn,)
    return pl.pallas_call(
        _tables_body,
        grid=grid,
        in_specs=[
            pl.BlockSpec((bn, FEATDIM), lambda i: (i, 0)),
            pl.BlockSpec((bn, 1), lambda i: (i, 0)),
            pl.BlockSpec((bn, 1), lambda i: (i, 0)),
            pl.BlockSpec((FEATDIM, 64), lambda i: (0, 0)),
            pl.BlockSpec((1, 64), lambda i: (0, 0)),
            pl.BlockSpec((FEATDIM, HIDDEN), lambda i: (0, 0)),
            pl.BlockSpec((1, HIDDEN), lambda i: (0, 0)),
            pl.BlockSpec((HIDDEN, 64), lambda i: (0, 0)),
            pl.BlockSpec((1, 64), lambda i: (0, 0)),
            pl.BlockSpec((64, 128), lambda i: (0, 0)),
            pl.BlockSpec((64, 128), lambda i: (0, 0)),
        ],
        out_specs=pl.BlockSpec((bn, 128), lambda i: (i, 0)),
        out_shape=jax.ShapeDtypeStruct((N_PAD, 128), jnp.float32),
    )(emb_pad, dA, dB, wp_pad, bp_pad, w1, b1r, w2, b2r, embL, embR)


def _combine_body_split(g_ref, en_ref, wq_ref, bq_ref, o_ref):
    g = g_ref[...]
    en = en_ref[...]
    be = g.shape[1]
    g1 = g[:, :, :64]
    g2 = g[:, :, 64:]
    e0, e1, e2, e3 = g1[0], g1[1], g1[2], g1[3]
    s01 = e0[:, 63:64] * e1[:, 63:64]
    s23 = e2[:, 63:64] * e3[:, 63:64]
    cs = (1.0 / 6.0) * (s01 * s23)
    a01 = e0 * e1
    a23 = e2 * e3
    wq = wq_ref[...]
    bq = bq_ref[...]
    edge2 = jnp.maximum(g2[0] + g2[1] + g2[2] + g2[3], 0.0) + bq
    loos = (e1 * a23, e0 * a23, a01 * e3, a01 * e2)
    blocks = lax.broadcasted_iota(jnp.int32, (be, 128), 1) // 64
    for j in range(EDGE_ORDER):
        pre = jnp.tanh(cs * loos[j])
        out = jnp.dot(pre, wq, preferred_element_type=jnp.float32) + edge2
        mask = blocks == (en[j] % 2).reshape(be, 1)
        o_ref[j, :, :] = jnp.where(mask, jnp.concatenate([out, out], axis=1),
                                   0.0)


def _combine(g, en_m, wq_pad, bq_pad):
    be = 512
    grid = (E_PAD // be,)
    return pl.pallas_call(
        _combine_body_split,
        grid=grid,
        in_specs=[
            pl.BlockSpec((EDGE_ORDER, be, 128), lambda i: (0, i, 0)),
            pl.BlockSpec((EDGE_ORDER, be), lambda i: (0, i)),
            pl.BlockSpec((64, 64), lambda i: (0, 0)),
            pl.BlockSpec((1, 64), lambda i: (0, 0)),
        ],
        out_specs=pl.BlockSpec((EDGE_ORDER, be, 128), lambda i: (0, i, 0)),
        out_shape=jax.ShapeDtypeStruct((EDGE_ORDER, E_PAD, 128), jnp.float32),
    )(g, en_m, wq_pad, bq_pad)


def _final_body(s_ref, dA_ref, dB_ref, o_ref):
    deg = jnp.maximum(dA_ref[...] + dB_ref[...], 1.0)
    o_ref[...] = jnp.maximum(s_ref[...] / deg, 0.0)


def _finalize(node_sum, dA, dB):
    bn = 1000
    grid = (N_NODES // bn,)
    return pl.pallas_call(
        _final_body,
        grid=grid,
        in_specs=[
            pl.BlockSpec((bn, 64), lambda i: (i, 0)),
            pl.BlockSpec((bn, 1), lambda i: (i, 0)),
            pl.BlockSpec((bn, 1), lambda i: (i, 0)),
        ],
        out_specs=pl.BlockSpec((bn, 64), lambda i: (i, 0)),
        out_shape=jax.ShapeDtypeStruct((N_NODES, 64), jnp.float32),
    )(node_sum, dA, dB)


def kernel(embedding, edge_nodes, Wp, bp, Wq, bq, W1, b1, W2, b2):
    f32 = jnp.float32
    en = edge_nodes.astype(jnp.int32)
    en_pad = jnp.concatenate(
        [en, jnp.full((E_PAD - N_EDGES, EDGE_ORDER), N_NODES, jnp.int32)], axis=0)
    idx_flat = en_pad.T.reshape(-1)

    idx_q = idx_flat // 4
    pair_par = (idx_flat // 2) % 2
    idxE = jnp.where(pair_par == 0, idx_q, 12500)
    idxO = jnp.where(pair_par == 1, idx_q, 12500)
    emb_pad = jnp.zeros((N_PAD, FEATDIM), f32).at[:N_NODES].set(embedding)
    zeros_vec = jnp.zeros((N_PAD,), f32)
    zeros_mat = jnp.zeros((ZROWS, 128), f32)
    ones_vec = jnp.ones((M_PER_W,), f32)
    wp_pad = jnp.zeros((FEATDIM, 64), f32).at[:, :RANK].set(Wp)
    bp_pad = jnp.zeros((1, 64), f32).at[0, :RANK].set(bp)
    wq_pad = jnp.zeros((64, 64), f32).at[:RANK, :].set(Wq)
    bq_pad = bq.reshape(1, OUTDIM).astype(f32)
    b1r = b1.reshape(1, HIDDEN).astype(f32)
    b2r = b2.reshape(1, OUTDIM).astype(f32)
    eye64 = jnp.eye(64, dtype=f32)
    embL = jnp.zeros((64, 128), f32).at[:, :64].set(eye64)
    embR = jnp.zeros((64, 128), f32).at[:, 64:].set(eye64)

    deg_k, gather_k, scatter_k = _sc_kernels()
    degA, degB = deg_k(idx_flat, ones_vec, zeros_vec)
    dA = degA.reshape(N_PAD, 1)
    dB = degB.reshape(N_PAD, 1)

    c_table = _build_tables(emb_pad, dA, dB, wp_pad, bp_pad, W1, b1r, W2, b2r,
                            embL, embR)

    g = gather_k(idx_flat, c_table)

    cv = _combine(g.reshape(EDGE_ORDER, E_PAD, 128),
                  en_pad.T.reshape(EDGE_ORDER, E_PAD), wq_pad, bq_pad)

    sumE, sumO = scatter_k(idxE, idxO, cv[0], cv[1], cv[2], cv[3], zeros_mat)

    node_sum = jnp.concatenate(
        [sumE.reshape(N_PAD4, 2, OUTDIM), sumO.reshape(N_PAD4, 2, OUTDIM)],
        axis=1).reshape(N_PAD, OUTDIM)

    return _finalize(node_sum, dA, dB)

# --- scband reference (transcript-rebuilt; emitter-appended) ---
"""Pipeline reference for scband-thnn-ab-90185723281667 (READ-ONLY COPY).

The authoritative reference and input builder live on the scoring server;
editing this copy changes nothing except your own understanding.
"""

import jax, jax.numpy as jnp
import numpy as np
import math

N_NODES = 50000
FEATDIM = 128
N_EDGES = 100000
EDGE_ORDER = 4
RANK = 50
HIDDEN = 128
OUTDIM = 64


def setup_inputs(seed: int = 0) -> dict:
    key = jax.random.key(seed)
    ks = jax.random.split(key, 10)
    embedding = jax.random.normal(ks[0], (N_NODES, FEATDIM), dtype=jnp.float32)
    edge_nodes = jax.random.randint(ks[1], (N_EDGES, EDGE_ORDER), 0, N_NODES)
    s = math.sqrt(1.0 / (FEATDIM + 1))
    Wp = jax.random.normal(ks[2], (FEATDIM, RANK), dtype=jnp.float32) * s
    bp = jnp.zeros((RANK,), dtype=jnp.float32)
    Wq = jax.random.normal(ks[3], (RANK, OUTDIM), dtype=jnp.float32) * math.sqrt(1.0 / RANK)
    bq = jnp.zeros((OUTDIM,), dtype=jnp.float32)
    W1 = jax.random.normal(ks[4], (FEATDIM, HIDDEN), dtype=jnp.float32) * math.sqrt(1.0 / FEATDIM)
    b1 = jnp.zeros((HIDDEN,), dtype=jnp.float32)
    W2 = jax.random.normal(ks[5], (HIDDEN, OUTDIM), dtype=jnp.float32) * math.sqrt(1.0 / HIDDEN)
    b2 = jnp.zeros((OUTDIM,), dtype=jnp.float32)
    return {"embedding": embedding, "edge_nodes": edge_nodes, "Wp": Wp, "bp": bp, "Wq": Wq, "bq": bq, "W1": W1, "b1": b1, "W2": W2, "b2": b2}


def _forward(embedding, Wp, bp, Wq, bq, W1, b1, W2, b2, edge_nodes):
    # Vectorized, faithful translation of THNN_layer_no_addingones.forward (eval mode: dropout = identity)
    N = embedding.shape[0]
    E, K = edge_nodes.shape
    # node degree = number of (edge, slot) memberships per node
    deg = jnp.bincount(edge_nodes.reshape(-1), length=N)
    deg_f = jnp.maximum(deg, 1).astype(embedding.dtype)
    # p_network and p2_network
    emb_new = embedding @ Wp + bp                          # [N, R]
    emb_new2 = jax.nn.relu(embedding @ W1 + b1) @ W2 + b2  # [N, O]
    # degree-normalized features used inside the rank-space hadamard product
    scaled = (deg_f ** (1.0 / K))[:, None] * emb_new       # [N, R]
    gathered = scaled[edge_nodes]                          # [E, K, R] gather
    # leave-one-out hadamard product over edge members (edge_emb for each member)
    loo = []
    for i in range(K):
        p = jnp.ones((E, gathered.shape[-1]), dtype=embedding.dtype)
        for j in range(K):
            if j != i:
                p = p * gathered[:, j, :]
        loo.append(p)
    loo = jnp.stack(loo, axis=1)                           # [E, K, R]
    member_deg = deg_f[edge_nodes]                         # [E, K]
    node_scale = member_deg ** (1.0 / K)
    pre = jnp.tanh((1.0 / math.factorial(K - 1)) * node_scale[..., None] * loo)
    # q_network on stacked per-(node,edge) embeddings
    q_out = pre @ Wq + bq                                  # [E, K, O]
    # edge_emb2: sum of p2 features over all members of the edge (including self)
    edge2 = emb_new2[edge_nodes].sum(axis=1)               # [E, O]
    contrib = q_out + jax.nn.relu(edge2)[:, None, :]       # [E, K, O]
    # mean over edges incident to each node: scatter-add then divide by degree
    summed = jax.ops.segment_sum(contrib.reshape(E * K, -1), edge_nodes.reshape(-1), num_segments=N)
    node_out = summed / deg_f[:, None]
    return jax.nn.relu(node_out)


def reference(embedding, edge_nodes, Wp, bp, Wq, bq, W1, b1, W2, b2):
    return _forward(embedding, Wp, bp, Wq, bq, W1, b1, W2, b2, edge_nodes)

if __name__ == "__main__":
    import jax
    _d = setup_inputs()
    print(jax.jit(kernel)(*tuple(_d.values())))

</pallas_src>

<mosaic_0001>
#map = affine_map<(d0, d1) -> (0)>
module attributes {stable_mosaic.version = 14 : i64} {
  func.func @_deg_body(%arg0: i32, %arg1: i32, %arg2: memref<409600xi32, #tpu.memory_space<hbm>>, %arg3: memref<12800xf32, #tpu.memory_space<hbm>>, %arg4: memref<50176xf32, #tpu.memory_space<hbm>>, %arg5: memref<50176xf32, #tpu.memory_space<hbm>>, %arg6: memref<50176xf32, #tpu.memory_space<hbm>>, %arg7: memref<12800xi32, #tpu.memory_space<vmem>>, %arg8: memref<12800xf32, #tpu.memory_space<vmem>>, %arg9: memref<50176xf32, #tpu.memory_space<vmem_shared>>) attributes {dimension_semantics = [#tpu.dimension_semantics<core_parallel>, #tpu.dimension_semantics<subcore_parallel>], iteration_bounds = array<i64: 2, 16>, scalar_prefetch = 0 : i64, scratch_operands = 3 : i64, tpu.core_type = #tpu.core_type<sc_vector_subcore>, window_params = [{transform_indices = #map}, {transform_indices = #map}, {transform_indices = #map}, {transform_indices = #map}, {transform_indices = #map}]} {
    %mul3A = arith.constant 2 : i32
    %mul3A_0 = arith.muli %arg1, %mul3A : i32
    %add3A = arith.addi %mul3A_0, %arg0 : i32
    %mul3A_1 = arith.constant 3136 : i32
    %mul3A_2 = arith.muli %arg1, %mul3A_1 : i32
    "tpu.region"() ({
      %run_scoped3A = tpu.sem_alloc : memref<!tpu.dma_semaphore, #tpu.memory_space<semaphore_mem>>
      %dma_start3A = arith.constant 0 : i32
      %dma_start3A_13 = tpu.memref_slice %arg8[%dma_start3A] : memref<12800xf32, #tpu.memory_space<vmem>> -> memref<3136xf32, #tpu.memory_space<vmem>>
      %dma_start3A_14 = tpu.memref_slice %arg4[%mul3A_2] : memref<50176xf32, #tpu.memory_space<hbm>> -> memref<3136xf32, #tpu.memory_space<hbm>>
      %dma_start3A_15 = arith.constant 0 : i32
      %dma_start3A_16 = tpu.memref_slice %arg8[%dma_start3A_15] : memref<12800xf32, #tpu.memory_space<vmem>> -> memref<3136xf32, #tpu.memory_space<vmem>>
      %dma_start3A_17 = tpu.memref_slice %arg4[%mul3A_2] : memref<50176xf32, #tpu.memory_space<hbm>> -> memref<3136xf32, #tpu.memory_space<hbm>>
      tpu.enqueue_dma source(%dma_start3A_17 : memref<3136xf32, #tpu.memory_space<hbm>>) target(%dma_start3A_16 : memref<3136xf32, #tpu.memory_space<vmem>>) target_semaphore(%run_scoped3A : memref<!tpu.dma_semaphore, #tpu.memory_space<semaphore_mem>>)
      %dma_wait3A = arith.constant 0 : i32
      %dma_wait3A_18 = tpu.memref_slice %arg8[%dma_wait3A] : memref<12800xf32, #tpu.memory_space<vmem>> -> memref<3136xf32, #tpu.memory_space<vmem>>
      %dma_wait3A_19 = tpu.memref_slice %arg4[%mul3A_2] : memref<50176xf32, #tpu.memory_space<hbm>> -> memref<3136xf32, #tpu.memory_space<hbm>>
      %dma_wait3A_20 = arith.constant 0 : i32
      %dma_wait3A_21 = tpu.memref_slice %arg8[%dma_wait3A_20] : memref<12800xf32, #tpu.memory_space<vmem>> -> memref<3136xf32, #tpu.memory_space<vmem>>
      %dma_wait3A_22 = tpu.memref_slice %arg4[%mul3A_2] : memref<50176xf32, #tpu.memory_space<hbm>> -> memref<3136xf32, #tpu.memory_space<hbm>>
      tpu.wait_dma2 semaphore(%run_scoped3A : memref<!tpu.dma_semaphore, #tpu.memory_space<semaphore_mem>>) src(%dma_wait3A_22 : memref<3136xf32, #tpu.memory_space<hbm>>) dst(%dma_wait3A_21 : memref<3136xf32, #tpu.memory_space<vmem>>)
      tpu.yield
    }) : () -> ()
    "tpu.region"() ({
      %run_scoped3A = tpu.sem_alloc : memref<!tpu.dma_semaphore, #tpu.memory_space<semaphore_mem>>
      %dma_start3A = arith.constant 0 : i32
      %dma_start3A_13 = tpu.memref_slice %arg8[%dma_start3A] : memref<12800xf32, #tpu.memory_space<vmem>> -> memref<3136xf32, #tpu.memory_space<vmem>>
      %dma_start3A_14 = tpu.memref_slice %arg9[%mul3A_2] : memref<50176xf32, #tpu.memory_space<vmem_shared>> -> memref<3136xf32, #tpu.memory_space<vmem_shared>>
      %dma_start3A_15 = tpu.memref_slice %arg9[%mul3A_2] : memref<50176xf32, #tpu.memory_space<vmem_shared>> -> memref<3136xf32, #tpu.memory_space<vmem_shared>>
      %dma_start3A_16 = arith.constant 0 : i32
      %dma_start3A_17 = tpu.memref_slice %arg8[%dma_start3A_16] : memref<12800xf32, #tpu.memory_space<vmem>> -> memref<3136xf32, #tpu.memory_space<vmem>>
      tpu.enqueue_dma source(%dma_start3A_17 : memref<3136xf32, #tpu.memory_space<vmem>>) target(%dma_start3A_15 : memref<3136xf32, #tpu.memory_space<vmem_shared>>) target_semaphore(%run_scoped3A : memref<!tpu.dma_semaphore, #tpu.memory_space<semaphore_mem>>)
      %dma_wait3A = arith.constant 0 : i32
      %dma_wait3A_18 = tpu.memref_slice %arg8[%dma_wait3A] : memref<12800xf32, #tpu.memory_space<vmem>> -> memref<3136xf32, #tpu.memory_space<vmem>>
      %dma_wait3A_19 = tpu.memref_slice %arg9[%mul3A_2] : memref<50176xf32, #tpu.memory_space<vmem_shared>> -> memref<3136xf32, #tpu.memory_space<vmem_shared>>
      %dma_wait3A_20 = tpu.memref_slice %arg9[%mul3A_2] : memref<50176xf32, #tpu.memory_space<vmem_shared>> -> memref<3136xf32, #tpu.memory_space<vmem_shared>>
      %dma_wait3A_21 = arith.constant 0 : i32
      %dma_wait3A_22 = tpu.memref_slice %arg8[%dma_wait3A_21] : memref<12800xf32, #tpu.memory_space<vmem>> -> memref<3136xf32, #tpu.memory_space<vmem>>
      tpu.wait_dma2 semaphore(%run_scoped3A : memref<!tpu.dma_semaphore, #tpu.memory_space<semaphore_mem>>) src(%dma_wait3A_22 : memref<3136xf32, #tpu.memory_space<vmem>>) dst(%dma_wait3A_20 : memref<3136xf32, #tpu.memory_space<vmem_shared>>)
      tpu.yield
    }) : () -> ()
    %barrier3A = arith.constant 0 : index
    tpu.barrier barrier_id(%barrier3A)
    %mul3A_3 = arith.constant 12800 : i32
    %mul3A_4 = arith.muli %add3A, %mul3A_3 : i32
    "tpu.region"() ({
      %run_scoped3A = tpu.sem_alloc : memref<!tpu.dma_semaphore, #tpu.memory_space<semaphore_mem>>
      %dma_start3A = tpu.memref_slice %arg2[%mul3A_4] : memref<409600xi32, #tpu.memory_space<hbm>> -> memref<12800xi32, #tpu.memory_space<hbm>>
      %dma_start3A_13 = tpu.memref_slice %arg2[%mul3A_4] : memref<409600xi32, #tpu.memory_space<hbm>> -> memref<12800xi32, #tpu.memory_space<hbm>>
      tpu.enqueue_dma source(%dma_start3A_13 : memref<12800xi32, #tpu.memory_space<hbm>>) target(%arg7 : memref<12800xi32, #tpu.memory_space<vmem>>) target_semaphore(%run_scoped3A : memref<!tpu.dma_semaphore, #tpu.memory_space<semaphore_mem>>)
      %dma_wait3A = tpu.memref_slice %arg2[%mul3A_4] : memref<409600xi32, #tpu.memory_space<hbm>> -> memref<12800xi32, #tpu.memory_space<hbm>>
      %dma_wait3A_14 = tpu.memref_slice %arg2[%mul3A_4] : memref<409600xi32, #tpu.memory_space<hbm>> -> memref<12800xi32, #tpu.memory_space<hbm>>
      tpu.wait_dma2 semaphore(%run_scoped3A : memref<!tpu.dma_semaphore, #tpu.memory_space<semaphore_mem>>) src(%dma_wait3A_14 : memref<12800xi32, #tpu.memory_space<hbm>>) dst(%arg7 : memref<12800xi32, #tpu.memory_space<vmem>>)
      tpu.yield
    }) : () -> ()
    "tpu.region"() ({
      %run_scoped3A = tpu.sem_alloc : memref<!tpu.dma_semaphore, #tpu.memory_space<semaphore_mem>>
      tpu.enqueue_dma source(%arg3 : memref<12800xf32, #tpu.memory_space<hbm>>) target(%arg8 : memref<12800xf32, #tpu.memory_space<vmem>>) target_semaphore(%run_scoped3A : memref<!tpu.dma_semaphore, #tpu.memory_space<semaphore_mem>>)
      tpu.wait_dma2 semaphore(%run_scoped3A : memref<!tpu.dma_semaphore, #tpu.memory_space<semaphore_mem>>) src(%arg3 : memref<12800xf32, #tpu.memory_space<hbm>>) dst(%arg8 : memref<12800xf32, #tpu.memory_space<vmem>>)
      tpu.yield
    }) : () -> ()
    "tpu.region"() ({
      %run_scoped3A = tpu.sem_alloc : memref<!tpu.dma_semaphore, #tpu.memory_space<semaphore_mem>>
      %dma_start3A = arith.constant 0 : i32
      %dma_start3A_13 = tpu.memref_slice %arg9[%dma_start3A] : memref<50176xf32, #tpu.memory_space<vmem_shared>> -> memref<50176xf32, #tpu.memory_space<vmem_shared>>
      tpu.enqueue_indirect_dma source(%arg8 : memref<12800xf32, #tpu.memory_space<vmem>>) target(%dma_start3A_13 : memref<50176xf32, #tpu.memory_space<vmem_shared>>) offsets(%arg7 : memref<12800xi32, #tpu.memory_space<vmem>>) semaphore(%run_scoped3A : memref<!tpu.dma_semaphore, #tpu.memory_space<semaphore_mem>>) {add = true}
      %dma_wait3A = arith.constant 0 : i32
      %dma_wait3A_14 = tpu.memref_slice %arg9[%dma_wait3A] : memref<50176xf32, #tpu.memory_space<vmem_shared>> -> memref<50176xf32, #tpu.memory_space<vmem_shared>>
      tpu.wait_indirect_dma semaphore(%run_scoped3A : memref<!tpu.dma_semaphore, #tpu.memory_space<semaphore_mem>>) src(%arg8 : memref<12800xf32, #tpu.memory_space<vmem>>) dst(%dma_wait3A_14 : memref<50176xf32, #tpu.memory_space<vmem_shared>>)
      tpu.yield
    }) : () -> ()
    %barrier3A_5 = arith.constant 0 : index
    tpu.barrier barrier_id(%barrier3A_5)
    "tpu.region"() ({
      %run_scoped3A = tpu.sem_alloc : memref<!tpu.dma_semaphore, #tpu.memory_space<semaphore_mem>>
      %dma_start3A = arith.constant 0 : i32
      %dma_start3A_13 = tpu.memref_slice %arg8[%dma_start3A] : memref<12800xf32, #tpu.memory_space<vmem>> -> memref<3136xf32, #tpu.memory_space<vmem>>
      %dma_start3A_14 = tpu.memref_slice %arg9[%mul3A_2] : memref<50176xf32, #tpu.memory_space<vmem_shared>> -> memref<3136xf32, #tpu.memory_space<vmem_shared>>
      %dma_start3A_15 = arith.constant 0 : i32
      %dma_start3A_16 = tpu.memref_slice %arg8[%dma_start3A_15] : memref<12800xf32, #tpu.memory_space<vmem>> -> memref<3136xf32, #tpu.memory_space<vmem>>
      %dma_start3A_17 = tpu.memref_slice %arg9[%mul3A_2] : memref<50176xf32, #tpu.memory_space<vmem_shared>> -> memref<3136xf32, #tpu.memory_space<vmem_shared>>
      tpu.enqueue_dma source(%dma_start3A_17 : memref<3136xf32, #tpu.memory_space<vmem_shared>>) target(%dma_start3A_16 : memref<3136xf32, #tpu.memory_space<vmem>>) target_semaphore(%run_scoped3A : memref<!tpu.dma_semaphore, #tpu.memory_space<semaphore_mem>>)
      %dma_wait3A = arith.constant 0 : i32
      %dma_wait3A_18 = tpu.memref_slice %arg8[%dma_wait3A] : memref<12800xf32, #tpu.memory_space<vmem>> -> memref<3136xf32, #tpu.memory_space<vmem>>
      %dma_wait3A_19 = tpu.memref_slice %arg9[%mul3A_2] : memref<50176xf32, #tpu.memory_space<vmem_shared>> -> memref<3136xf32, #tpu.memory_space<vmem_shared>>
      %dma_wait3A_20 = arith.constant 0 : i32
      %dma_wait3A_21 = tpu.memref_slice %arg8[%dma_wait3A_20] : memref<12800xf32, #tpu.memory_space<vmem>> -> memref<3136xf32, #tpu.memory_space<vmem>>
      %dma_wait3A_22 = tpu.memref_slice %arg9[%mul3A_2] : memref<50176xf32, #tpu.memory_space<vmem_shared>> -> memref<3136xf32, #tpu.memory_space<vmem_shared>>
      tpu.wait_dma2 semaphore(%run_scoped3A : memref<!tpu.dma_semaphore, #tpu.memory_space<semaphore_mem>>) src(%dma_wait3A_22 : memref<3136xf32, #tpu.memory_space<vmem_shared>>) dst(%dma_wait3A_21 : memref<3136xf32, #tpu.memory_space<vmem>>)
      tpu.yield
    }) : () -> ()
    %eq3A = arith.constant 0 : i32
    %eq3A_6 = arith.cmpi eq, %arg0, %eq3A : i32
    %convert_element_type3A = arith.extui %eq3A_6 : i1 to i32
    %cond3A = arith.constant 0 : i32
    %cond3A_7 = arith.cmpi ne, %convert_element_type3A, %cond3A : i32
    scf.if %cond3A_7 {
      "tpu.region"() ({
        %run_scoped3A = tpu.sem_alloc : memref<!tpu.dma_semaphore, #tpu.memory_space<semaphore_mem>>
        %dma_start3A = arith.constant 0 : i32
        %dma_start3A_13 = tpu.memref_slice %arg8[%dma_start3A] : memref<12800xf32, #tpu.memory_space<vmem>> -> memref<3136xf32, #tpu.memory_space<vmem>>
        %dma_start3A_14 = tpu.memref_slice %arg5[%mul3A_2] : memref<50176xf32, #tpu.memory_space<hbm>> -> memref<3136xf32, #tpu.memory_space<hbm>>
        %dma_start3A_15 = tpu.memref_slice %arg5[%mul3A_2] : memref<50176xf32, #tpu.memory_space<hbm>> -> memref<3136xf32, #tpu.memory_space<hbm>>
        %dma_start3A_16 = arith.constant 0 : i32
        %dma_start3A_17 = tpu.memref_slice %arg8[%dma_start3A_16] : memref<12800xf32, #tpu.memory_space<vmem>> -> memref<3136xf32, #tpu.memory_space<vmem>>
        tpu.enqueue_dma source(%dma_start3A_17 : memref<3136xf32, #tpu.memory_space<vmem>>) target(%dma_start3A_15 : memref<3136xf32, #tpu.memory_space<hbm>>) target_semaphore(%run_scoped3A : memref<!tpu.dma_semaphore, #tpu.memory_space<semaphore_mem>>)
        %dma_wait3A = arith.constant 0 : i32
        %dma_wait3A_18 = tpu.memref_slice %arg8[%dma_wait3A] : memref<12800xf32, #tpu.memory_space<vmem>> -> memref<3136xf32, #tpu.memory_space<vmem>>
        %dma_wait3A_19 = tpu.memref_slice %arg5[%mul3A_2] : memref<50176xf32, #tpu.memory_space<hbm>> -> memref<3136xf32, #tpu.memory_space<hbm>>
        %dma_wait3A_20 = tpu.memref_slice %arg5[%mul3A_2] : memref<50176xf32, #tpu.memory_space<hbm>> -> memref<3136xf32, #tpu.memory_space<hbm>>
        %dma_wait3A_21 = arith.constant 0 : i32
        %dma_wait3A_22 = tpu.memref_slice %arg8[%dma_wait3A_21] : memref<12800xf32, #tpu.memory_space<vmem>> -> memref<3136xf32, #tpu.memory_space<vmem>>
        tpu.wait_dma2 semaphore(%run_scoped3A : memref<!tpu.dma_semaphore, #tpu.memory_space<semaphore_mem>>) src(%dma_wait3A_22 : memref<3136xf32, #tpu.memory_space<vmem>>) dst(%dma_wait3A_20 : memref<3136xf32, #tpu.memory_space<hbm>>)
        tpu.yield
      }) : () -> ()
    } else {
    }
    %eq3A_8 = arith.constant 1 : i32
    %eq3A_9 = arith.cmpi eq, %arg0, %eq3A_8 : i32
    %convert_element_type3A_10 = arith.extui %eq3A_9 : i1 to i32
    %cond3A_11 = arith.constant 0 : i32
    %cond3A_12 = arith.cmpi ne, %convert_element_type3A_10, %cond3A_11 : i32
    scf.if %cond3A_12 {
      "tpu.region"() ({
        %run_scoped3A = tpu.sem_alloc : memref<!tpu.dma_semaphore, #tpu.memory_space<semaphore_mem>>
        %dma_start3A = arith.constant 0 : i32
        %dma_start3A_13 = tpu.memref_slice %arg8[%dma_start3A] : memref<12800xf32, #tpu.memory_space<vmem>> -> memref<3136xf32, #tpu.memory_space<vmem>>
        %dma_start3A_14 = tpu.memref_slice %arg6[%mul3A_2] : memref<50176xf32, #tpu.memory_space<hbm>> -> memref<3136xf32, #tpu.memory_space<hbm>>
        %dma_start3A_15 = tpu.memref_slice %arg6[%mul3A_2] : memref<50176xf32, #tpu.memory_space<hbm>> -> memref<3136xf32, #tpu.memory_space<hbm>>
        %dma_start3A_16 = arith.constant 0 : i32
        %dma_start3A_17 = tpu.memref_slice %arg8[%dma_start3A_16] : memref<12800xf32, #tpu.memory_space<vmem>> -> memref<3136xf32, #tpu.memory_space<vmem>>
        tpu.enqueue_dma source(%dma_start3A_17 : memref<3136xf32, #tpu.memory_space<vmem>>) target(%dma_start3A_15 : memref<3136xf32, #tpu.memory_space<hbm>>) target_semaphore(%run_scoped3A : memref<!tpu.dma_semaphore, #tpu.memory_space<semaphore_mem>>)
        %dma_wait3A = arith.constant 0 : i32
        %dma_wait3A_18 = tpu.memref_slice %arg8[%dma_wait3A] : memref<12800xf32, #tpu.memory_space<vmem>> -> memref<3136xf32, #tpu.memory_space<vmem>>
        %dma_wait3A_19 = tpu.memref_slice %arg6[%mul3A_2] : memref<50176xf32, #tpu.memory_space<hbm>> -> memref<3136xf32, #tpu.memory_space<hbm>>
        %dma_wait3A_20 = tpu.memref_slice %arg6[%mul3A_2] : memref<50176xf32, #tpu.memory_space<hbm>> -> memref<3136xf32, #tpu.memory_space<hbm>>
        %dma_wait3A_21 = arith.constant 0 : i32
        %dma_wait3A_22 = tpu.memref_slice %arg8[%dma_wait3A_21] : memref<12800xf32, #tpu.memory_space<vmem>> -> memref<3136xf32, #tpu.memory_space<vmem>>
        tpu.wait_dma2 semaphore(%run_scoped3A : memref<!tpu.dma_semaphore, #tpu.memory_space<semaphore_mem>>) src(%dma_wait3A_22 : memref<3136xf32, #tpu.memory_space<vmem>>) dst(%dma_wait3A_20 : memref<3136xf32, #tpu.memory_space<hbm>>)
        tpu.yield
      }) : () -> ()
    } else {
    }
    return
  }
}

#map = affine_map<(d0, d1) -> (0)>
#map1 = affine_map<(d0, d1) -> (0, 0)>
module attributes {stable_mosaic.version = 14 : i64} {
  func.func @_gather_body(%arg0: i32, %arg1: i32, %arg2: memref<409600xi32, #tpu.memory_space<hbm>>, %arg3: memref<50176x128xf32, #tpu.memory_space<hbm>>, %arg4: memref<409600x128xf32, #tpu.memory_space<hbm>>, %arg5: memref<800xi32, #tpu.memory_space<vmem>>, %arg6: memref<800x128xf32, #tpu.memory_space<vmem>>, %arg7: memref<!tpu.dma_semaphore, #tpu.memory_space<semaphore_mem>>) attributes {dimension_semantics = [#tpu.dimension_semantics<core_parallel>, #tpu.dimension_semantics<subcore_parallel>], iteration_bounds = array<i64: 2, 16>, scalar_prefetch = 0 : i64, scratch_operands = 3 : i64, tpu.core_type = #tpu.core_type<sc_vector_subcore>, window_params = [{transform_indices = #map}, {transform_indices = #map1}, {transform_indices = #map1}]} {
    %mul3A = arith.constant 2 : i32
    %mul3A_0 = arith.muli %arg1, %mul3A : i32
    %add3A = arith.addi %mul3A_0, %arg0 : i32
    %mul3A_1 = arith.constant 12800 : i32
    %mul3A_2 = arith.muli %add3A, %mul3A_1 : i32
    %scan3A = arith.constant 0 : i32
    %scan3A_3 = arith.constant 0 : i32
    %scan3A_4 = arith.constant 16 : i32
    %scan3A_5 = arith.addi %scan3A_3, %scan3A_4 : i32
    %scan3A_6 = arith.constant 1 : i32
    %scan3A_7 = scf.for %scan3A_9 = %scan3A_3 to %scan3A_5 step %scan3A_6 iter_args(%scan3A_10 = %scan3A) -> (i32)  : i32 {
      %mul3A_11 = arith.constant 800 : i32
      %mul3A_12 = arith.muli %scan3A_9, %mul3A_11 : i32
      %add3A_13 = arith.addi %mul3A_2, %mul3A_12 : i32
      "tpu.region"() ({
        %run_scoped3A = tpu.sem_alloc : memref<!tpu.dma_semaphore, #tpu.memory_space<semaphore_mem>>
        %dma_start3A_19 = tpu.memref_slice %arg2[%add3A_13] : memref<409600xi32, #tpu.memory_space<hbm>> -> memref<800xi32, #tpu.memory_space<hbm>>
        %dma_start3A_20 = tpu.memref_slice %arg2[%add3A_13] : memref<409600xi32, #tpu.memory_space<hbm>> -> memref<800xi32, #tpu.memory_space<hbm>>
        tpu.enqueue_dma source(%dma_start3A_20 : memref<800xi32, #tpu.memory_space<hbm>>) target(%arg5 : memref<800xi32, #tpu.memory_space<vmem>>) target_semaphore(%run_scoped3A : memref<!tpu.dma_semaphore, #tpu.memory_space<semaphore_mem>>)
        %dma_wait3A_21 = tpu.memref_slice %arg2[%add3A_13] : memref<409600xi32, #tpu.memory_space<hbm>> -> memref<800xi32, #tpu.memory_space<hbm>>
        %dma_wait3A_22 = tpu.memref_slice %arg2[%add3A_13] : memref<409600xi32, #tpu.memory_space<hbm>> -> memref<800xi32, #tpu.memory_space<hbm>>
        tpu.wait_dma2 semaphore(%run_scoped3A : memref<!tpu.dma_semaphore, #tpu.memory_space<semaphore_mem>>) src(%dma_wait3A_22 : memref<800xi32, #tpu.memory_space<hbm>>) dst(%arg5 : memref<800xi32, #tpu.memory_space<vmem>>)
        tpu.yield
      }) : () -> ()
      %dma_start3A = arith.constant 0 : i32
      %dma_start3A_14 = arith.constant 0 : i32
      %dma_start3A_15 = tpu.memref_slice %arg3[%dma_start3A, %dma_start3A_14] : memref<50176x128xf32, #tpu.memory_space<hbm>> -> memref<50176x128xf32, #tpu.memory_space<hbm>>
      tpu.enqueue_indirect_dma source(%dma_start3A_15 : memref<50176x128xf32, #tpu.memory_space<hbm>>) target(%arg6 : memref<800x128xf32, #tpu.memory_space<vmem>>) offsets(%arg5 : memref<800xi32, #tpu.memory_space<vmem>>) semaphore(%arg7 : memref<!tpu.dma_semaphore, #tpu.memory_space<semaphore_mem>>)
      %dma_wait3A = arith.constant 0 : i32
      %dma_wait3A_16 = arith.constant 0 : i32
      %dma_wait3A_17 = tpu.memref_slice %arg3[%dma_wait3A, %dma_wait3A_16] : memref<50176x128xf32, #tpu.memory_space<hbm>> -> memref<50176x128xf32, #tpu.memory_space<hbm>>
      tpu.wait_indirect_dma semaphore(%arg7 : memref<!tpu.dma_semaphore, #tpu.memory_space<semaphore_mem>>) src(%dma_wait3A_17 : memref<50176x128xf32, #tpu.memory_space<hbm>>) dst(%arg6 : memref<800x128xf32, #tpu.memory_space<vmem>>)
      "tpu.region"() ({
        %run_scoped3A = tpu.sem_alloc : memref<!tpu.dma_semaphore, #tpu.memory_space<semaphore_mem>>
        %dma_start3A_19 = arith.constant 0 : i32
        %dma_start3A_20 = tpu.memref_slice %arg4[%add3A_13, %dma_start3A_19] : memref<409600x128xf32, #tpu.memory_space<hbm>> -> memref<800x128xf32, #tpu.memory_space<hbm>>
        %dma_start3A_21 = arith.constant 0 : i32
        %dma_start3A_22 = tpu.memref_slice %arg4[%add3A_13, %dma_start3A_21] : memref<409600x128xf32, #tpu.memory_space<hbm>> -> memref<800x128xf32, #tpu.memory_space<hbm>>
        tpu.enqueue_dma source(%arg6 : memref<800x128xf32, #tpu.memory_space<vmem>>) target(%dma_start3A_22 : memref<800x128xf32, #tpu.memory_space<hbm>>) target_semaphore(%run_scoped3A : memref<!tpu.dma_semaphore, #tpu.memory_space<semaphore_mem>>)
        %dma_wait3A_23 = arith.constant 0 : i32
        %dma_wait3A_24 = tpu.memref_slice %arg4[%add3A_13, %dma_wait3A_23] : memref<409600x128xf32, #tpu.memory_space<hbm>> -> memref<800x128xf32, #tpu.memory_space<hbm>>
        %dma_wait3A_25 = arith.constant 0 : i32
        %dma_wait3A_26 = tpu.memref_slice %arg4[%add3A_13, %dma_wait3A_25] : memref<409600x128xf32, #tpu.memory_space<hbm>> -> memref<800x128xf32, #tpu.memory_space<hbm>>
        tpu.wait_dma2 semaphore(%run_scoped3A : memref<!tpu.dma_semaphore, #tpu.memory_space<semaphore_mem>>) src(%arg6 : memref<800x128xf32, #tpu.memory_space<vmem>>) dst(%dma_wait3A_26 : memref<800x128xf32, #tpu.memory_space<hbm>>)
        tpu.yield
      }) : () -> ()
      %scan3A_18 = arith.constant 0 : i32
      scf.yield %scan3A_18 : i32
    }
    %scan3A_8 = arith.constant 16 : i32
    return
  }
}

#map = affine_map<(d0, d1) -> (0)>
#map1 = affine_map<(d0, d1) -> (0, 0)>
module attributes {stable_mosaic.version = 14 : i64} {
  func.func @_scatter_body(%arg0: i32, %arg1: i32, %arg2: memref<409600xi32, #tpu.memory_space<hbm>>, %arg3: memref<409600xi32, #tpu.memory_space<hbm>>, %arg4: memref<102400x128xf32, #tpu.memory_space<hbm>>, %arg5: memref<102400x128xf32, #tpu.memory_space<hbm>>, %arg6: memref<102400x128xf32, #tpu.memory_space<hbm>>, %arg7: memref<102400x128xf32, #tpu.memory_space<hbm>>, %arg8: memref<56x128xf32, #tpu.memory_space<hbm>>, %arg9: memref<12544x128xf32, #tpu.memory_space<hbm>>, %arg10: memref<12544x128xf32, #tpu.memory_space<hbm>>, %arg11: memref<160xi32, #tpu.memory_space<vmem>>, %arg12: memref<160x128xf32, #tpu.memory_space<vmem>>, %arg13: memref<56x128xf32, #tpu.memory_space<vmem>>, %arg14: memref<12544x128xf32, #tpu.memory_space<vmem_shared>>) attributes {dimension_semantics = [#tpu.dimension_semantics<core_parallel>, #tpu.dimension_semantics<subcore_parallel>], iteration_bounds = array<i64: 2, 16>, scalar_prefetch = 0 : i64, scratch_operands = 4 : i64, tpu.core_type = #tpu.core_type<sc_vector_subcore>, window_params = [{transform_indices = #map}, {transform_indices = #map}, {transform_indices = #map1}, {transform_indices = #map1}, {transform_indices = #map1}, {transform_indices = #map1}, {transform_indices = #map1}, {transform_indices = #map1}, {transform_indices = #map1}]} {
    %mul3A = arith.constant 784 : i32
    %mul3A_0 = arith.muli %arg1, %mul3A : i32
    %scan3A = arith.constant 0 : i32
    %scan3A_1 = arith.constant 0 : i32
    %scan3A_2 = arith.constant 14 : i32
    %scan3A_3 = arith.addi %scan3A_1, %scan3A_2 : i32
    %scan3A_4 = arith.constant 1 : i32
    %scan3A_5 = scf.for %scan3A_25 = %scan3A_1 to %scan3A_3 step %scan3A_4 iter_args(%scan3A_26 = %scan3A) -> (i32)  : i32 {
      "tpu.region"() ({
        %run_scoped3A = tpu.sem_alloc : memref<!tpu.dma_semaphore, #tpu.memory_space<semaphore_mem>>
        tpu.enqueue_dma source(%arg8 : memref<56x128xf32, #tpu.memory_space<hbm>>) target(%arg13 : memref<56x128xf32, #tpu.memory_space<vmem>>) target_semaphore(%run_scoped3A : memref<!tpu.dma_semaphore, #tpu.memory_space<semaphore_mem>>)
        tpu.wait_dma2 semaphore(%run_scoped3A : memref<!tpu.dma_semaphore, #tpu.memory_space<semaphore_mem>>) src(%arg8 : memref<56x128xf32, #tpu.memory_space<hbm>>) dst(%arg13 : memref<56x128xf32, #tpu.memory_space<vmem>>)
        tpu.yield
      }) : () -> ()
      %mul3A_27 = arith.constant 56 : i32
      %mul3A_28 = arith.muli %scan3A_25, %mul3A_27 : i32
      %add3A = arith.addi %mul3A_0, %mul3A_28 : i32
      "tpu.region"() ({
        %run_scoped3A = tpu.sem_alloc : memref<!tpu.dma_semaphore, #tpu.memory_space<semaphore_mem>>
        %dma_start3A = arith.constant 0 : i32
        %dma_start3A_30 = tpu.memref_slice %arg14[%add3A, %dma_start3A] : memref<12544x128xf32, #tpu.memory_space<vmem_shared>> -> memref<56x128xf32, #tpu.memory_space<vmem_shared>>
        %dma_start3A_31 = arith.constant 0 : i32
        %dma_start3A_32 = tpu.memref_slice %arg14[%add3A, %dma_start3A_31] : memref<12544x128xf32, #tpu.memory_space<vmem_shared>> -> memref<56x128xf32, #tpu.memory_space<vmem_shared>>
        tpu.enqueue_dma source(%arg13 : memref<56x128xf32, #tpu.memory_space<vmem>>) target(%dma_start3A_32 : memref<56x128xf32, #tpu.memory_space<vmem_shared>>) target_semaphore(%run_scoped3A : memref<!tpu.dma_semaphore, #tpu.memory_space<semaphore_mem>>)
        %dma_wait3A = arith.constant 0 : i32
        %dma_wait3A_33 = tpu.memref_slice %arg14[%add3A, %dma_wait3A] : memref<12544x128xf32, #tpu.memory_space<vmem_shared>> -> memref<56x128xf32, #tpu.memory_space<vmem_shared>>
        %dma_wait3A_34 = arith.constant 0 : i32
        %dma_wait3A_35 = tpu.memref_slice %arg14[%add3A, %dma_wait3A_34] : memref<12544x128xf32, #tpu.memory_space<vmem_shared>> -> memref<56x128xf32, #tpu.memory_space<vmem_shared>>
        tpu.wait_dma2 semaphore(%run_scoped3A : memref<!tpu.dma_semaphore, #tpu.memory_space<semaphore_mem>>) src(%arg13 : memref<56x128xf32, #tpu.memory_space<vmem>>) dst(%dma_wait3A_35 : memref<56x128xf32, #tpu.memory_space<vmem_shared>>)
        tpu.yield
      }) : () -> ()
      %scan3A_29 = arith.constant 0 : i32
      scf.yield %scan3A_29 : i32
    }
    %scan3A_6 = arith.constant 14 : i32
    %barrier3A = arith.constant 0 : index
    tpu.barrier barrier_id(%barrier3A)
    %eq3A = arith.constant 0 : i32
    %eq3A_7 = arith.cmpi eq, %arg0, %eq3A : i32
    %convert_element_type3A = arith.extui %eq3A_7 : i1 to i32
    %cond3A = arith.constant 0 : i32
    %cond3A_8 = arith.cmpi ne, %convert_element_type3A, %cond3A : i32
    scf.if %cond3A_8 {
      %scan3A_25 = arith.constant 0 : i32
      %scan3A_26 = arith.constant 0 : i32
      %scan3A_27 = arith.constant 40 : i32
      %scan3A_28 = arith.addi %scan3A_26, %scan3A_27 : i32
      %scan3A_29 = arith.constant 1 : i32
      %scan3A_30 = scf.for %scan3A_53 = %scan3A_26 to %scan3A_28 step %scan3A_29 iter_args(%scan3A_54 = %scan3A_25) -> (i32)  : i32 {
        %mul3A_55 = arith.constant 6400 : i32
        %mul3A_56 = arith.muli %arg1, %mul3A_55 : i32
        %mul3A_57 = arith.constant 160 : i32
        %mul3A_58 = arith.muli %scan3A_53, %mul3A_57 : i32
        %add3A = arith.addi %mul3A_56, %mul3A_58 : i32
        %add3A_59 = arith.constant 0 : i32
        %add3A_60 = arith.addi %add3A_59, %add3A : i32
        "tpu.region"() ({
          %run_scoped3A = tpu.sem_alloc : memref<!tpu.dma_semaphore, #tpu.memory_space<semaphore_mem>>
          %dma_start3A = tpu.memref_slice %arg2[%add3A_60] : memref<409600xi32, #tpu.memory_space<hbm>> -> memref<160xi32, #tpu.memory_space<hbm>>
          %dma_start3A_62 = tpu.memref_slice %arg2[%add3A_60] : memref<409600xi32, #tpu.memory_space<hbm>> -> memref<160xi32, #tpu.memory_space<hbm>>
          tpu.enqueue_dma source(%dma_start3A_62 : memref<160xi32, #tpu.memory_space<hbm>>) target(%arg11 : memref<160xi32, #tpu.memory_space<vmem>>) target_semaphore(%run_scoped3A : memref<!tpu.dma_semaphore, #tpu.memory_space<semaphore_mem>>)
          %dma_wait3A = tpu.memref_slice %arg2[%add3A_60] : memref<409600xi32, #tpu.memory_space<hbm>> -> memref<160xi32, #tpu.memory_space<hbm>>
          %dma_wait3A_63 = tpu.memref_slice %arg2[%add3A_60] : memref<409600xi32, #tpu.memory_space<hbm>> -> memref<160xi32, #tpu.memory_space<hbm>>
          tpu.wait_dma2 semaphore(%run_scoped3A : memref<!tpu.dma_semaphore, #tpu.memory_space<semaphore_mem>>) src(%dma_wait3A_63 : memref<160xi32, #tpu.memory_space<hbm>>) dst(%arg11 : memref<160xi32, #tpu.memory_space<vmem>>)
          tpu.yield
        }) : () -> ()
        "tpu.region"() ({
          %run_scoped3A = tpu.sem_alloc : memref<!tpu.dma_semaphore, #tpu.memory_space<semaphore_mem>>
          %dma_start3A = arith.constant 0 : i32
          %dma_start3A_62 = tpu.memref_slice %arg4[%add3A, %dma_start3A] : memref<102400x128xf32, #tpu.memory_space<hbm>> -> memref<160x128xf32, #tpu.memory_space<hbm>>
          %dma_start3A_63 = arith.constant 0 : i32
          %dma_start3A_64 = tpu.memref_slice %arg4[%add3A, %dma_start3A_63] : memref<102400x128xf32, #tpu.memory_space<hbm>> -> memref<160x128xf32, #tpu.memory_space<hbm>>
          tpu.enqueue_dma source(%dma_start3A_64 : memref<160x128xf32, #tpu.memory_space<hbm>>) target(%arg12 : memref<160x128xf32, #tpu.memory_space<vmem>>) target_semaphore(%run_scoped3A : memref<!tpu.dma_semaphore, #tpu.memory_space<semaphore_mem>>)
          %dma_wait3A = arith.constant 0 : i32
          %dma_wait3A_65 = tpu.memref_slice %arg4[%add3A, %dma_wait3A] : memref<102400x128xf32, #tpu.memory_space<hbm>> -> memref<160x128xf32, #tpu.memory_space<hbm>>
          %dma_wait3A_66 = arith.constant 0 : i32
          %dma_wait3A_67 = tpu.memref_slice %arg4[%add3A, %dma_wait3A_66] : memref<102400x128xf32, #tpu.memory_space<hbm>> -> memref<160x128xf32, #tpu.memory_space<hbm>>
          tpu.wait_dma2 semaphore(%run_scoped3A : memref<!tpu.dma_semaphore, #tpu.memory_space<semaphore_mem>>) src(%dma_wait3A_67 : memref<160x128xf32, #tpu.memory_space<hbm>>) dst(%arg12 : memref<160x128xf32, #tpu.memory_space<vmem>>)
          tpu.yield
        }) : () -> ()
        "tpu.region"() ({
          %run_scoped3A = tpu.sem_alloc : memref<!tpu.dma_semaphore, #tpu.memory_space<semaphore_mem>>
          %dma_start3A = arith.constant 0 : i32
          %dma_start3A_62 = arith.constant 0 : i32
          %dma_start3A_63 = tpu.memref_slice %arg14[%dma_start3A, %dma_start3A_62] : memref<12544x128xf32, #tpu.memory_space<vmem_shared>> -> memref<12544x128xf32, #tpu.memory_space<vmem_shared>>
          tpu.enqueue_indirect_dma source(%arg12 : memref<160x128xf32, #tpu.memory_space<vmem>>) target(%dma_start3A_63 : memref<12544x128xf32, #tpu.memory_space<vmem_shared>>) offsets(%arg11 : memref<160xi32, #tpu.memory_space<vmem>>) semaphore(%run_scoped3A : memref<!tpu.dma_semaphore, #tpu.memory_space<semaphore_mem>>) {add = true}
          %dma_wait3A = arith.constant 0 : i32
          %dma_wait3A_64 = arith.constant 0 : i32
          %dma_wait3A_65 = tpu.memref_slice %arg14[%dma_wait3A, %dma_wait3A_64] : memref<12544x128xf32, #tpu.memory_space<vmem_shared>> -> memref<12544x128xf32, #tpu.memory_space<vmem_shared>>
          tpu.wait_indirect_dma semaphore(%run_scoped3A : memref<!tpu.dma_semaphore, #tpu.memory_space<semaphore_mem>>) src(%arg12 : memref<160x128xf32, #tpu.memory_space<vmem>>) dst(%dma_wait3A_65 : memref<12544x128xf32, #tpu.memory_space<vmem_shared>>)
          tpu.yield
        }) : () -> ()
        %scan3A_61 = arith.constant 0 : i32
        scf.yield %scan3A_61 : i32
      }
      %scan3A_31 = arith.constant 40 : i32
      %scan3A_32 = arith.constant 0 : i32
      %scan3A_33 = arith.constant 0 : i32
      %scan3A_34 = arith.constant 40 : i32
      %scan3A_35 = arith.addi %scan3A_33, %scan3A_34 : i32
      %scan3A_36 = arith.constant 1 : i32
      %scan3A_37 = scf.for %scan3A_53 = %scan3A_33 to %scan3A_35 step %scan3A_36 iter_args(%scan3A_54 = %scan3A_32) -> (i32)  : i32 {
        %mul3A_55 = arith.constant 6400 : i32
        %mul3A_56 = arith.muli %arg1, %mul3A_55 : i32
        %mul3A_57 = arith.constant 160 : i32
        %mul3A_58 = arith.muli %scan3A_53, %mul3A_57 : i32
        %add3A = arith.addi %mul3A_56, %mul3A_58 : i32
        %add3A_59 = arith.constant 102400 : i32
        %add3A_60 = arith.addi %add3A_59, %add3A : i32
        "tpu.region"() ({
          %run_scoped3A = tpu.sem_alloc : memref<!tpu.dma_semaphore, #tpu.memory_space<semaphore_mem>>
          %dma_start3A = tpu.memref_slice %arg2[%add3A_60] : memref<409600xi32, #tpu.memory_space<hbm>> -> memref<160xi32, #tpu.memory_space<hbm>>
          %dma_start3A_62 = tpu.memref_slice %arg2[%add3A_60] : memref<409600xi32, #tpu.memory_space<hbm>> -> memref<160xi32, #tpu.memory_space<hbm>>
          tpu.enqueue_dma source(%dma_start3A_62 : memref<160xi32, #tpu.memory_space<hbm>>) target(%arg11 : memref<160xi32, #tpu.memory_space<vmem>>) target_semaphore(%run_scoped3A : memref<!tpu.dma_semaphore, #tpu.memory_space<semaphore_mem>>)
          %dma_wait3A = tpu.memref_slice %arg2[%add3A_60] : memref<409600xi32, #tpu.memory_space<hbm>> -> memref<160xi32, #tpu.memory_space<hbm>>
          %dma_wait3A_63 = tpu.memref_slice %arg2[%add3A_60] : memref<409600xi32, #tpu.memory_space<hbm>> -> memref<160xi32, #tpu.memory_space<hbm>>
          tpu.wait_dma2 semaphore(%run_scoped3A : memref<!tpu.dma_semaphore, #tpu.memory_space<semaphore_mem>>) src(%dma_wait3A_63 : memref<160xi32, #tpu.memory_space<hbm>>) dst(%arg11 : memref<160xi32, #tpu.memory_space<vmem>>)
          tpu.yield
        }) : () -> ()
        "tpu.region"() ({
          %run_scoped3A = tpu.sem_alloc : memref<!tpu.dma_semaphore, #tpu.memory_space<semaphore_mem>>
          %dma_start3A = arith.constant 0 : i32
          %dma_start3A_62 = tpu.memref_slice %arg5[%add3A, %dma_start3A] : memref<102400x128xf32, #tpu.memory_space<hbm>> -> memref<160x128xf32, #tpu.memory_space<hbm>>
          %dma_start3A_63 = arith.constant 0 : i32
          %dma_start3A_64 = tpu.memref_slice %arg5[%add3A, %dma_start3A_63] : memref<102400x128xf32, #tpu.memory_space<hbm>> -> memref<160x128xf32, #tpu.memory_space<hbm>>
          tpu.enqueue_dma source(%dma_start3A_64 : memref<160x128xf32, #tpu.memory_space<hbm>>) target(%arg12 : memref<160x128xf32, #tpu.memory_space<vmem>>) target_semaphore(%run_scoped3A : memref<!tpu.dma_semaphore, #tpu.memory_space<semaphore_mem>>)
          %dma_wait3A = arith.constant 0 : i32
          %dma_wait3A_65 = tpu.memref_slice %arg5[%add3A, %dma_wait3A] : memref<102400x128xf32, #tpu.memory_space<hbm>> -> memref<160x128xf32, #tpu.memory_space<hbm>>
          %dma_wait3A_66 = arith.constant 0 : i32
          %dma_wait3A_67 = tpu.memref_slice %arg5[%add3A, %dma_wait3A_66] : memref<102400x128xf32, #tpu.memory_space<hbm>> -> memref<160x128xf32, #tpu.memory_space<hbm>>
          tpu.wait_dma2 semaphore(%run_scoped3A : memref<!tpu.dma_semaphore, #tpu.memory_space<semaphore_mem>>) src(%dma_wait3A_67 : memref<160x128xf32, #tpu.memory_space<hbm>>) dst(%arg12 : memref<160x128xf32, #tpu.memory_space<vmem>>)
          tpu.yield
        }) : () -> ()
        "tpu.region"() ({
          %run_scoped3A = tpu.sem_alloc : memref<!tpu.dma_semaphore, #tpu.memory_space<semaphore_mem>>
          %dma_start3A = arith.constant 0 : i32
          %dma_start3A_62 = arith.constant 0 : i32
          %dma_start3A_63 = tpu.memref_slice %arg14[%dma_start3A, %dma_start3A_62] : memref<12544x128xf32, #tpu.memory_space<vmem_shared>> -> memref<12544x128xf32, #tpu.memory_space<vmem_shared>>
          tpu.enqueue_indirect_dma source(%arg12 : memref<160x128xf32, #tpu.memory_space<vmem>>) target(%dma_start3A_63 : memref<12544x128xf32, #tpu.memory_space<vmem_shared>>) offsets(%arg11 : memref<160xi32, #tpu.memory_space<vmem>>) semaphore(%run_scoped3A : memref<!tpu.dma_semaphore, #tpu.memory_space<semaphore_mem>>) {add = true}
          %dma_wait3A = arith.constant 0 : i32
          %dma_wait3A_64 = arith.constant 0 : i32
          %dma_wait3A_65 = tpu.memref_slice %arg14[%dma_wait3A, %dma_wait3A_64] : memref<12544x128xf32, #tpu.memory_space<vmem_shared>> -> memref<12544x128xf32, #tpu.memory_space<vmem_shared>>
          tpu.wait_indirect_dma semaphore(%run_scoped3A : memref<!tpu.dma_semaphore, #tpu.memory_space<semaphore_mem>>) src(%arg12 : memref<160x128xf32, #tpu.memory_space<vmem>>) dst(%dma_wait3A_65 : memref<12544x128xf32, #tpu.memory_space<vmem_shared>>)
          tpu.yield
        }) : () -> ()
        %scan3A_61 = arith.constant 0 : i32
        scf.yield %scan3A_61 : i32
      }
      %scan3A_38 = arith.constant 40 : i32
      %scan3A_39 = arith.constant 0 : i32
      %scan3A_40 = arith.constant 0 : i32
      %scan3A_41 = arith.constant 40 : i32
      %scan3A_42 = arith.addi %scan3A_40, %scan3A_41 : i32
      %scan3A_43 = arith.constant 1 : i32
      %scan3A_44 = scf.for %scan3A_53 = %scan3A_40 to %scan3A_42 step %scan3A_43 iter_args(%scan3A_54 = %scan3A_39) -> (i32)  : i32 {
        %mul3A_55 = arith.constant 6400 : i32
        %mul3A_56 = arith.muli %arg1, %mul3A_55 : i32
        %mul3A_57 = arith.constant 160 : i32
        %mul3A_58 = arith.muli %scan3A_53, %mul3A_57 : i32
        %add3A = arith.addi %mul3A_56, %mul3A_58 : i32
        %add3A_59 = arith.constant 204800 : i32
        %add3A_60 = arith.addi %add3A_59, %add3A : i32
        "tpu.region"() ({
          %run_scoped3A = tpu.sem_alloc : memref<!tpu.dma_semaphore, #tpu.memory_space<semaphore_mem>>
          %dma_start3A = tpu.memref_slice %arg2[%add3A_60] : memref<409600xi32, #tpu.memory_space<hbm>> -> memref<160xi32, #tpu.memory_space<hbm>>
          %dma_start3A_62 = tpu.memref_slice %arg2[%add3A_60] : memref<409600xi32, #tpu.memory_space<hbm>> -> memref<160xi32, #tpu.memory_space<hbm>>
          tpu.enqueue_dma source(%dma_start3A_62 : memref<160xi32, #tpu.memory_space<hbm>>) target(%arg11 : memref<160xi32, #tpu.memory_space<vmem>>) target_semaphore(%run_scoped3A : memref<!tpu.dma_semaphore, #tpu.memory_space<semaphore_mem>>)
          %dma_wait3A = tpu.memref_slice %arg2[%add3A_60] : memref<409600xi32, #tpu.memory_space<hbm>> -> memref<160xi32, #tpu.memory_space<hbm>>
          %dma_wait3A_63 = tpu.memref_slice %arg2[%add3A_60] : memref<409600xi32, #tpu.memory_space<hbm>> -> memref<160xi32, #tpu.memory_space<hbm>>
          tpu.wait_dma2 semaphore(%run_scoped3A : memref<!tpu.dma_semaphore, #tpu.memory_space<semaphore_mem>>) src(%dma_wait3A_63 : memref<160xi32, #tpu.memory_space<hbm>>) dst(%arg11 : memref<160xi32, #tpu.memory_space<vmem>>)
          tpu.yield
        }) : () -> ()
        "tpu.region"() ({
          %run_scoped3A = tpu.sem_alloc : memref<!tpu.dma_semaphore, #tpu.memory_space<semaphore_mem>>
          %dma_start3A = arith.constant 0 : i32
          %dma_start3A_62 = tpu.memref_slice %arg6[%add3A, %dma_start3A] : memref<102400x128xf32, #tpu.memory_space<hbm>> -> memref<160x128xf32, #tpu.memory_space<hbm>>
          %dma_start3A_63 = arith.constant 0 : i32
          %dma_start3A_64 = tpu.memref_slice %arg6[%add3A, %dma_start3A_63] : memref<102400x128xf32, #tpu.memory_space<hbm>> -> memref<160x128xf32, #tpu.memory_space<hbm>>
          tpu.enqueue_dma source(%dma_start3A_64 : memref<160x128xf32, #tpu.memory_space<hbm>>) target(%arg12 : memref<160x128xf32, #tpu.memory_space<vmem>>) target_semaphore(%run_scoped3A : memref<!tpu.dma_semaphore, #tpu.memory_space<semaphore_mem>>)
          %dma_wait3A = arith.constant 0 : i32
          %dma_wait3A_65 = tpu.memref_slice %arg6[%add3A, %dma_wait3A] : memref<102400x128xf32, #tpu.memory_space<hbm>> -> memref<160x128xf32, #tpu.memory_space<hbm>>
          %dma_wait3A_66 = arith.constant 0 : i32
          %dma_wait3A_67 = tpu.memref_slice %arg6[%add3A, %dma_wait3A_66] : memref<102400x128xf32, #tpu.memory_space<hbm>> -> memref<160x128xf32, #tpu.memory_space<hbm>>
          tpu.wait_dma2 semaphore(%run_scoped3A : memref<!tpu.dma_semaphore, #tpu.memory_space<semaphore_mem>>) src(%dma_wait3A_67 : memref<160x128xf32, #tpu.memory_space<hbm>>) dst(%arg12 : memref<160x128xf32, #tpu.memory_space<vmem>>)
          tpu.yield
        }) : () -> ()
        "tpu.region"() ({
          %run_scoped3A = tpu.sem_alloc : memref<!tpu.dma_semaphore, #tpu.memory_space<semaphore_mem>>
          %dma_start3A = arith.constant 0 : i32
          %dma_start3A_62 = arith.constant 0 : i32
          %dma_start3A_63 = tpu.memref_slice %arg14[%dma_start3A, %dma_start3A_62] : memref<12544x128xf32, #tpu.memory_space<vmem_shared>> -> memref<12544x128xf32, #tpu.memory_space<vmem_shared>>
          tpu.enqueue_indirect_dma source(%arg12 : memref<160x128xf32, #tpu.memory_space<vmem>>) target(%dma_start3A_63 : memref<12544x128xf32, #tpu.memory_space<vmem_shared>>) offsets(%arg11 : memref<160xi32, #tpu.memory_space<vmem>>) semaphore(%run_scoped3A : memref<!tpu.dma_semaphore, #tpu.memory_space<semaphore_mem>>) {add = true}
          %dma_wait3A = arith.constant 0 : i32
          %dma_wait3A_64 = arith.constant 0 : i32
          %dma_wait3A_65 = tpu.memref_slice %arg14[%dma_wait3A, %dma_wait3A_64] : memref<12544x128xf32, #tpu.memory_space<vmem_shared>> -> memref<12544x128xf32, #tpu.memory_space<vmem_shared>>
          tpu.wait_indirect_dma semaphore(%run_scoped3A : memref<!tpu.dma_semaphore, #tpu.memory_space<semaphore_mem>>) src(%arg12 : memref<160x128xf32, #tpu.memory_space<vmem>>) dst(%dma_wait3A_65 : memref<12544x128xf32, #tpu.memory_space<vmem_shared>>)
          tpu.yield
        }) : () -> ()
        %scan3A_61 = arith.constant 0 : i32
        scf.yield %scan3A_61 : i32
      }
      %scan3A_45 = arith.constant 40 : i32
      %scan3A_46 = arith.constant 0 : i32
      %scan3A_47 = arith.constant 0 : i32
      %scan3A_48 = arith.constant 40 : i32
      %scan3A_49 = arith.addi %scan3A_47, %scan3A_48 : i32
      %scan3A_50 = arith.constant 1 : i32
      %scan3A_51 = scf.for %scan3A_53 = %scan3A_47 to %scan3A_49 step %scan3A_50 iter_args(%scan3A_54 = %scan3A_46) -> (i32)  : i32 {
        %mul3A_55 = arith.constant 6400 : i32
        %mul3A_56 = arith.muli %arg1, %mul3A_55 : i32
        %mul3A_57 = arith.constant 160 : i32
        %mul3A_58 = arith.muli %scan3A_53, %mul3A_57 : i32
        %add3A = arith.addi %mul3A_56, %mul3A_58 : i32
        %add3A_59 = arith.constant 307200 : i32
        %add3A_60 = arith.addi %add3A_59, %add3A : i32
        "tpu.region"() ({
          %run_scoped3A = tpu.sem_alloc : memref<!tpu.dma_semaphore, #tpu.memory_space<semaphore_mem>>
          %dma_start3A = tpu.memref_slice %arg2[%add3A_60] : memref<409600xi32, #tpu.memory_space<hbm>> -> memref<160xi32, #tpu.memory_space<hbm>>
          %dma_start3A_62 = tpu.memref_slice %arg2[%add3A_60] : memref<409600xi32, #tpu.memory_space<hbm>> -> memref<160xi32, #tpu.memory_space<hbm>>
          tpu.enqueue_dma source(%dma_start3A_62 : memref<160xi32, #tpu.memory_space<hbm>>) target(%arg11 : memref<160xi32, #tpu.memory_space<vmem>>) target_semaphore(%run_scoped3A : memref<!tpu.dma_semaphore, #tpu.memory_space<semaphore_mem>>)
          %dma_wait3A = tpu.memref_slice %arg2[%add3A_60] : memref<409600xi32, #tpu.memory_space<hbm>> -> memref<160xi32, #tpu.memory_space<hbm>>
          %dma_wait3A_63 = tpu.memref_slice %arg2[%add3A_60] : memref<409600xi32, #tpu.memory_space<hbm>> -> memref<160xi32, #tpu.memory_space<hbm>>
          tpu.wait_dma2 semaphore(%run_scoped3A : memref<!tpu.dma_semaphore, #tpu.memory_space<semaphore_mem>>) src(%dma_wait3A_63 : memref<160xi32, #tpu.memory_space<hbm>>) dst(%arg11 : memref<160xi32, #tpu.memory_space<vmem>>)
          tpu.yield
        }) : () -> ()
        "tpu.region"() ({
          %run_scoped3A = tpu.sem_alloc : memref<!tpu.dma_semaphore, #tpu.memory_space<semaphore_mem>>
          %dma_start3A = arith.constant 0 : i32
          %dma_start3A_62 = tpu.memref_slice %arg7[%add3A, %dma_start3A] : memref<102400x128xf32, #tpu.memory_space<hbm>> -> memref<160x128xf32, #tpu.memory_space<hbm>>
          %dma_start3A_63 = arith.constant 0 : i32
          %dma_start3A_64 = tpu.memref_slice %arg7[%add3A, %dma_start3A_63] : memref<102400x128xf32, #tpu.memory_space<hbm>> -> memref<160x128xf32, #tpu.memory_space<hbm>>
          tpu.enqueue_dma source(%dma_start3A_64 : memref<160x128xf32, #tpu.memory_space<hbm>>) target(%arg12 : memref<160x128xf32, #tpu.memory_space<vmem>>) target_semaphore(%run_scoped3A : memref<!tpu.dma_semaphore, #tpu.memory_space<semaphore_mem>>)
          %dma_wait3A = arith.constant 0 : i32
          %dma_wait3A_65 = tpu.memref_slice %arg7[%add3A, %dma_wait3A] : memref<102400x128xf32, #tpu.memory_space<hbm>> -> memref<160x128xf32, #tpu.memory_space<hbm>>
          %dma_wait3A_66 = arith.constant 0 : i32
          %dma_wait3A_67 = tpu.memref_slice %arg7[%add3A, %dma_wait3A_66] : memref<102400x128xf32, #tpu.memory_space<hbm>> -> memref<160x128xf32, #tpu.memory_space<hbm>>
          tpu.wait_dma2 semaphore(%run_scoped3A : memref<!tpu.dma_semaphore, #tpu.memory_space<semaphore_mem>>) src(%dma_wait3A_67 : memref<160x128xf32, #tpu.memory_space<hbm>>) dst(%arg12 : memref<160x128xf32, #tpu.memory_space<vmem>>)
          tpu.yield
        }) : () -> ()
        "tpu.region"() ({
          %run_scoped3A = tpu.sem_alloc : memref<!tpu.dma_semaphore, #tpu.memory_space<semaphore_mem>>
          %dma_start3A = arith.constant 0 : i32
          %dma_start3A_62 = arith.constant 0 : i32
          %dma_start3A_63 = tpu.memref_slice %arg14[%dma_start3A, %dma_start3A_62] : memref<12544x128xf32, #tpu.memory_space<vmem_shared>> -> memref<12544x128xf32, #tpu.memory_space<vmem_shared>>
          tpu.enqueue_indirect_dma source(%arg12 : memref<160x128xf32, #tpu.memory_space<vmem>>) target(%dma_start3A_63 : memref<12544x128xf32, #tpu.memory_space<vmem_shared>>) offsets(%arg11 : memref<160xi32, #tpu.memory_space<vmem>>) semaphore(%run_scoped3A : memref<!tpu.dma_semaphore, #tpu.memory_space<semaphore_mem>>) {add = true}
          %dma_wait3A = arith.constant 0 : i32
          %dma_wait3A_64 = arith.constant 0 : i32
          %dma_wait3A_65 = tpu.memref_slice %arg14[%dma_wait3A, %dma_wait3A_64] : memref<12544x128xf32, #tpu.memory_space<vmem_shared>> -> memref<12544x128xf32, #tpu.memory_space<vmem_shared>>
          tpu.wait_indirect_dma semaphore(%run_scoped3A : memref<!tpu.dma_semaphore, #tpu.memory_space<semaphore_mem>>) src(%arg12 : memref<160x128xf32, #tpu.memory_space<vmem>>) dst(%dma_wait3A_65 : memref<12544x128xf32, #tpu.memory_space<vmem_shared>>)
          tpu.yield
        }) : () -> ()
        %scan3A_61 = arith.constant 0 : i32
        scf.yield %scan3A_61 : i32
      }
      %scan3A_52 = arith.constant 40 : i32
    } else {
    }
    %eq3A_9 = arith.constant 1 : i32
    %eq3A_10 = arith.cmpi eq, %arg0, %eq3A_9 : i32
    %convert_element_type3A_11 = arith.extui %eq3A_10 : i1 to i32
    %cond3A_12 = arith.constant 0 : i32
    %cond3A_13 = arith.cmpi ne, %convert_element_type3A_11, %cond3A_12 : i32
    scf.if %cond3A_13 {
      %scan3A_25 = arith.constant 0 : i32
      %scan3A_26 = arith.constant 0 : i32
      %scan3A_27 = arith.constant 40 : i32
      %scan3A_28 = arith.addi %scan3A_26, %scan3A_27 : i32
      %scan3A_29 = arith.constant 1 : i32
      %scan3A_30 = scf.for %scan3A_53 = %scan3A_26 to %scan3A_28 step %scan3A_29 iter_args(%scan3A_54 = %scan3A_25) -> (i32)  : i32 {
        %mul3A_55 = arith.constant 6400 : i32
        %mul3A_56 = arith.muli %arg1, %mul3A_55 : i32
        %mul3A_57 = arith.constant 160 : i32
        %mul3A_58 = arith.muli %scan3A_53, %mul3A_57 : i32
        %add3A = arith.addi %mul3A_56, %mul3A_58 : i32
        %add3A_59 = arith.constant 0 : i32
        %add3A_60 = arith.addi %add3A_59, %add3A : i32
        "tpu.region"() ({
          %run_scoped3A = tpu.sem_alloc : memref<!tpu.dma_semaphore, #tpu.memory_space<semaphore_mem>>
          %dma_start3A = tpu.memref_slice %arg3[%add3A_60] : memref<409600xi32, #tpu.memory_space<hbm>> -> memref<160xi32, #tpu.memory_space<hbm>>
          %dma_start3A_62 = tpu.memref_slice %arg3[%add3A_60] : memref<409600xi32, #tpu.memory_space<hbm>> -> memref<160xi32, #tpu.memory_space<hbm>>
          tpu.enqueue_dma source(%dma_start3A_62 : memref<160xi32, #tpu.memory_space<hbm>>) target(%arg11 : memref<160xi32, #tpu.memory_space<vmem>>) target_semaphore(%run_scoped3A : memref<!tpu.dma_semaphore, #tpu.memory_space<semaphore_mem>>)
          %dma_wait3A = tpu.memref_slice %arg3[%add3A_60] : memref<409600xi32, #tpu.memory_space<hbm>> -> memref<160xi32, #tpu.memory_space<hbm>>
          %dma_wait3A_63 = tpu.memref_slice %arg3[%add3A_60] : memref<409600xi32, #tpu.memory_space<hbm>> -> memref<160xi32, #tpu.memory_space<hbm>>
          tpu.wait_dma2 semaphore(%run_scoped3A : memref<!tpu.dma_semaphore, #tpu.memory_space<semaphore_mem>>) src(%dma_wait3A_63 : memref<160xi32, #tpu.memory_space<hbm>>) dst(%arg11 : memref<160xi32, #tpu.memory_space<vmem>>)
          tpu.yield
        }) : () -> ()
        "tpu.region"() ({
          %run_scoped3A = tpu.sem_alloc : memref<!tpu.dma_semaphore, #tpu.memory_space<semaphore_mem>>
          %dma_start3A = arith.constant 0 : i32
          %dma_start3A_62 = tpu.memref_slice %arg4[%add3A, %dma_start3A] : memref<102400x128xf32, #tpu.memory_space<hbm>> -> memref<160x128xf32, #tpu.memory_space<hbm>>
          %dma_start3A_63 = arith.constant 0 : i32
          %dma_start3A_64 = tpu.memref_slice %arg4[%add3A, %dma_start3A_63] : memref<102400x128xf32, #tpu.memory_space<hbm>> -> memref<160x128xf32, #tpu.memory_space<hbm>>
          tpu.enqueue_dma source(%dma_start3A_64 : memref<160x128xf32, #tpu.memory_space<hbm>>) target(%arg12 : memref<160x128xf32, #tpu.memory_space<vmem>>) target_semaphore(%run_scoped3A : memref<!tpu.dma_semaphore, #tpu.memory_space<semaphore_mem>>)
          %dma_wait3A = arith.constant 0 : i32
          %dma_wait3A_65 = tpu.memref_slice %arg4[%add3A, %dma_wait3A] : memref<102400x128xf32, #tpu.memory_space<hbm>> -> memref<160x128xf32, #tpu.memory_space<hbm>>
          %dma_wait3A_66 = arith.constant 0 : i32
          %dma_wait3A_67 = tpu.memref_slice %arg4[%add3A, %dma_wait3A_66] : memref<102400x128xf32, #tpu.memory_space<hbm>> -> memref<160x128xf32, #tpu.memory_space<hbm>>
          tpu.wait_dma2 semaphore(%run_scoped3A : memref<!tpu.dma_semaphore, #tpu.memory_space<semaphore_mem>>) src(%dma_wait3A_67 : memref<160x128xf32, #tpu.memory_space<hbm>>) dst(%arg12 : memref<160x128xf32, #tpu.memory_space<vmem>>)
          tpu.yield
        }) : () -> ()
        "tpu.region"() ({
          %run_scoped3A = tpu.sem_alloc : memref<!tpu.dma_semaphore, #tpu.memory_space<semaphore_mem>>
          %dma_start3A = arith.constant 0 : i32
          %dma_start3A_62 = arith.constant 0 : i32
          %dma_start3A_63 = tpu.memref_slice %arg14[%dma_start3A, %dma_start3A_62] : memref<12544x128xf32, #tpu.memory_space<vmem_shared>> -> memref<12544x128xf32, #tpu.memory_space<vmem_shared>>
          tpu.enqueue_indirect_dma source(%arg12 : memref<160x128xf32, #tpu.memory_space<vmem>>) target(%dma_start3A_63 : memref<12544x128xf32, #tpu.memory_space<vmem_shared>>) offsets(%arg11 : memref<160xi32, #tpu.memory_space<vmem>>) semaphore(%run_scoped3A : memref<!tpu.dma_semaphore, #tpu.memory_space<semaphore_mem>>) {add = true}
          %dma_wait3A = arith.constant 0 : i32
          %dma_wait3A_64 = arith.constant 0 : i32
          %dma_wait3A_65 = tpu.memref_slice %arg14[%dma_wait3A, %dma_wait3A_64] : memref<12544x128xf32, #tpu.memory_space<vmem_shared>> -> memref<12544x128xf32, #tpu.memory_space<vmem_shared>>
          tpu.wait_indirect_dma semaphore(%run_scoped3A : memref<!tpu.dma_semaphore, #tpu.memory_space<semaphore_mem>>) src(%arg12 : memref<160x128xf32, #tpu.memory_space<vmem>>) dst(%dma_wait3A_65 : memref<12544x128xf32, #tpu.memory_space<vmem_shared>>)
          tpu.yield
        }) : () -> ()
        %scan3A_61 = arith.constant 0 : i32
        scf.yield %scan3A_61 : i32
      }
      %scan3A_31 = arith.constant 40 : i32
      %scan3A_32 = arith.constant 0 : i32
      %scan3A_33 = arith.constant 0 : i32
      %scan3A_34 = arith.constant 40 : i32
      %scan3A_35 = arith.addi %scan3A_33, %scan3A_34 : i32
      %scan3A_36 = arith.constant 1 : i32
      %scan3A_37 = scf.for %scan3A_53 = %scan3A_33 to %scan3A_35 step %scan3A_36 iter_args(%scan3A_54 = %scan3A_32) -> (i32)  : i32 {
        %mul3A_55 = arith.constant 6400 : i32
        %mul3A_56 = arith.muli %arg1, %mul3A_55 : i32
        %mul3A_57 = arith.constant 160 : i32
        %mul3A_58 = arith.muli %scan3A_53, %mul3A_57 : i32
        %add3A = arith.addi %mul3A_56, %mul3A_58 : i32
        %add3A_59 = arith.constant 102400 : i32
        %add3A_60 = arith.addi %add3A_59, %add3A : i32
        "tpu.region"() ({
          %run_scoped3A = tpu.sem_alloc : memref<!tpu.dma_semaphore, #tpu.memory_space<semaphore_mem>>
          %dma_start3A = tpu.memref_slice %arg3[%add3A_60] : memref<409600xi32, #tpu.memory_space<hbm>> -> memref<160xi32, #tpu.memory_space<hbm>>
          %dma_start3A_62 = tpu.memref_slice %arg3[%add3A_60] : memref<409600xi32, #tpu.memory_space<hbm>> -> memref<160xi32, #tpu.memory_space<hbm>>
          tpu.enqueue_dma source(%dma_start3A_62 : memref<160xi32, #tpu.memory_space<hbm>>) target(%arg11 : memref<160xi32, #tpu.memory_space<vmem>>) target_semaphore(%run_scoped3A : memref<!tpu.dma_semaphore, #tpu.memory_space<semaphore_mem>>)
          %dma_wait3A = tpu.memref_slice %arg3[%add3A_60] : memref<409600xi32, #tpu.memory_space<hbm>> -> memref<160xi32, #tpu.memory_space<hbm>>
          %dma_wait3A_63 = tpu.memref_slice %arg3[%add3A_60] : memref<409600xi32, #tpu.memory_space<hbm>> -> memref<160xi32, #tpu.memory_space<hbm>>
          tpu.wait_dma2 semaphore(%run_scoped3A : memref<!tpu.dma_semaphore, #tpu.memory_space<semaphore_mem>>) src(%dma_wait3A_63 : memref<160xi32, #tpu.memory_space<hbm>>) dst(%arg11 : memref<160xi32, #tpu.memory_space<vmem>>)
          tpu.yield
        }) : () -> ()
        "tpu.region"() ({
          %run_scoped3A = tpu.sem_alloc : memref<!tpu.dma_semaphore, #tpu.memory_space<semaphore_mem>>
          %dma_start3A = arith.constant 0 : i32
          %dma_start3A_62 = tpu.memref_slice %arg5[%add3A, %dma_start3A] : memref<102400x128xf32, #tpu.memory_space<hbm>> -> memref<160x128xf32, #tpu.memory_space<hbm>>
          %dma_start3A_63 = arith.constant 0 : i32
          %dma_start3A_64 = tpu.memref_slice %arg5[%add3A, %dma_start3A_63] : memref<102400x128xf32, #tpu.memory_space<hbm>> -> memref<160x128xf32, #tpu.memory_space<hbm>>
          tpu.enqueue_dma source(%dma_start3A_64 : memref<160x128xf32, #tpu.memory_space<hbm>>) target(%arg12 : memref<160x128xf32, #tpu.memory_space<vmem>>) target_semaphore(%run_scoped3A : memref<!tpu.dma_semaphore, #tpu.memory_space<semaphore_mem>>)
          %dma_wait3A = arith.constant 0 : i32
          %dma_wait3A_65 = tpu.memref_slice %arg5[%add3A, %dma_wait3A] : memref<102400x128xf32, #tpu.memory_space<hbm>> -> memref<160x128xf32, #tpu.memory_space<hbm>>
          %dma_wait3A_66 = arith.constant 0 : i32
          %dma_wait3A_67 = tpu.memref_slice %arg5[%add3A, %dma_wait3A_66] : memref<102400x128xf32, #tpu.memory_space<hbm>> -> memref<160x128xf32, #tpu.memory_space<hbm>>
          tpu.wait_dma2 semaphore(%run_scoped3A : memref<!tpu.dma_semaphore, #tpu.memory_space<semaphore_mem>>) src(%dma_wait3A_67 : memref<160x128xf32, #tpu.memory_space<hbm>>) dst(%arg12 : memref<160x128xf32, #tpu.memory_space<vmem>>)
          tpu.yield
        }) : () -> ()
        "tpu.region"() ({
          %run_scoped3A = tpu.sem_alloc : memref<!tpu.dma_semaphore, #tpu.memory_space<semaphore_mem>>
          %dma_start3A = arith.constant 0 : i32
          %dma_start3A_62 = arith.constant 0 : i32
          %dma_start3A_63 = tpu.memref_slice %arg14[%dma_start3A, %dma_start3A_62] : memref<12544x128xf32, #tpu.memory_space<vmem_shared>> -> memref<12544x128xf32, #tpu.memory_space<vmem_shared>>
          tpu.enqueue_indirect_dma source(%arg12 : memref<160x128xf32, #tpu.memory_space<vmem>>) target(%dma_start3A_63 : memref<12544x128xf32, #tpu.memory_space<vmem_shared>>) offsets(%arg11 : memref<160xi32, #tpu.memory_space<vmem>>) semaphore(%run_scoped3A : memref<!tpu.dma_semaphore, #tpu.memory_space<semaphore_mem>>) {add = true}
          %dma_wait3A = arith.constant 0 : i32
          %dma_wait3A_64 = arith.constant 0 : i32
          %dma_wait3A_65 = tpu.memref_slice %arg14[%dma_wait3A, %dma_wait3A_64] : memref<12544x128xf32, #tpu.memory_space<vmem_shared>> -> memref<12544x128xf32, #tpu.memory_space<vmem_shared>>
          tpu.wait_indirect_dma semaphore(%run_scoped3A : memref<!tpu.dma_semaphore, #tpu.memory_space<semaphore_mem>>) src(%arg12 : memref<160x128xf32, #tpu.memory_space<vmem>>) dst(%dma_wait3A_65 : memref<12544x128xf32, #tpu.memory_space<vmem_shared>>)
          tpu.yield
        }) : () -> ()
        %scan3A_61 = arith.constant 0 : i32
        scf.yield %scan3A_61 : i32
      }
      %scan3A_38 = arith.constant 40 : i32
      %scan3A_39 = arith.constant 0 : i32
      %scan3A_40 = arith.constant 0 : i32
      %scan3A_41 = arith.constant 40 : i32
      %scan3A_42 = arith.addi %scan3A_40, %scan3A_41 : i32
      %scan3A_43 = arith.constant 1 : i32
      %scan3A_44 = scf.for %scan3A_53 = %scan3A_40 to %scan3A_42 step %scan3A_43 iter_args(%scan3A_54 = %scan3A_39) -> (i32)  : i32 {
        %mul3A_55 = arith.constant 6400 : i32
        %mul3A_56 = arith.muli %arg1, %mul3A_55 : i32
        %mul3A_57 = arith.constant 160 : i32
        %mul3A_58 = arith.muli %scan3A_53, %mul3A_57 : i32
        %add3A = arith.addi %mul3A_56, %mul3A_58 : i32
        %add3A_59 = arith.constant 204800 : i32
        %add3A_60 = arith.addi %add3A_59, %add3A : i32
        "tpu.region"() ({
          %run_scoped3A = tpu.sem_alloc : memref<!tpu.dma_semaphore, #tpu.memory_space<semaphore_mem>>
          %dma_start3A = tpu.memref_slice %arg3[%add3A_60] : memref<409600xi32, #tpu.memory_space<hbm>> -> memref<160xi32, #tpu.memory_space<hbm>>
          %dma_start3A_62 = tpu.memref_slice %arg3[%add3A_60] : memref<409600xi32, #tpu.memory_space<hbm>> -> memref<160xi32, #tpu.memory_space<hbm>>
          tpu.enqueue_dma source(%dma_start3A_62 : memref<160xi32, #tpu.memory_space<hbm>>) target(%arg11 : memref<160xi32, #tpu.memory_space<vmem>>) target_semaphore(%run_scoped3A : memref<!tpu.dma_semaphore, #tpu.memory_space<semaphore_mem>>)
          %dma_wait3A = tpu.memref_slice %arg3[%add3A_60] : memref<409600xi32, #tpu.memory_space<hbm>> -> memref<160xi32, #tpu.memory_space<hbm>>
          %dma_wait3A_63 = tpu.memref_slice %arg3[%add3A_60] : memref<409600xi32, #tpu.memory_space<hbm>> -> memref<160xi32, #tpu.memory_space<hbm>>
          tpu.wait_dma2 semaphore(%run_scoped3A : memref<!tpu.dma_semaphore, #tpu.memory_space<semaphore_mem>>) src(%dma_wait3A_63 : memref<160xi32, #tpu.memory_space<hbm>>) dst(%arg11 : memref<160xi32, #tpu.memory_space<vmem>>)
          tpu.yield
        }) : () -> ()
        "tpu.region"() ({
          %run_scoped3A = tpu.sem_alloc : memref<!tpu.dma_semaphore, #tpu.memory_space<semaphore_mem>>
          %dma_start3A = arith.constant 0 : i32
          %dma_start3A_62 = tpu.memref_slice %arg6[%add3A, %dma_start3A] : memref<102400x128xf32, #tpu.memory_space<hbm>> -> memref<160x128xf32, #tpu.memory_space<hbm>>
          %dma_start3A_63 = arith.constant 0 : i32
          %dma_start3A_64 = tpu.memref_slice %arg6[%add3A, %dma_start3A_63] : memref<102400x128xf32, #tpu.memory_space<hbm>> -> memref<160x128xf32, #tpu.memory_space<hbm>>
          tpu.enqueue_dma source(%dma_start3A_64 : memref<160x128xf32, #tpu.memory_space<hbm>>) target(%arg12 : memref<160x128xf32, #tpu.memory_space<vmem>>) target_semaphore(%run_scoped3A : memref<!tpu.dma_semaphore, #tpu.memory_space<semaphore_mem>>)
          %dma_wait3A = arith.constant 0 : i32
          %dma_wait3A_65 = tpu.memref_slice %arg6[%add3A, %dma_wait3A] : memref<102400x128xf32, #tpu.memory_space<hbm>> -> memref<160x128xf32, #tpu.memory_space<hbm>>
          %dma_wait3A_66 = arith.constant 0 : i32
          %dma_wait3A_67 = tpu.memref_slice %arg6[%add3A, %dma_wait3A_66] : memref<102400x128xf32, #tpu.memory_space<hbm>> -> memref<160x128xf32, #tpu.memory_space<hbm>>
          tpu.wait_dma2 semaphore(%run_scoped3A : memref<!tpu.dma_semaphore, #tpu.memory_space<semaphore_mem>>) src(%dma_wait3A_67 : memref<160x128xf32, #tpu.memory_space<hbm>>) dst(%arg12 : memref<160x128xf32, #tpu.memory_space<vmem>>)
          tpu.yield
        }) : () -> ()
        "tpu.region"() ({
          %run_scoped3A = tpu.sem_alloc : memref<!tpu.dma_semaphore, #tpu.memory_space<semaphore_mem>>
          %dma_start3A = arith.constant 0 : i32
          %dma_start3A_62 = arith.constant 0 : i32
          %dma_start3A_63 = tpu.memref_slice %arg14[%dma_start3A, %dma_start3A_62] : memref<12544x128xf32, #tpu.memory_space<vmem_shared>> -> memref<12544x128xf32, #tpu.memory_space<vmem_shared>>
          tpu.enqueue_indirect_dma source(%arg12 : memref<160x128xf32, #tpu.memory_space<vmem>>) target(%dma_start3A_63 : memref<12544x128xf32, #tpu.memory_space<vmem_shared>>) offsets(%arg11 : memref<160xi32, #tpu.memory_space<vmem>>) semaphore(%run_scoped3A : memref<!tpu.dma_semaphore, #tpu.memory_space<semaphore_mem>>) {add = true}
          %dma_wait3A = arith.constant 0 : i32
          %dma_wait3A_64 = arith.constant 0 : i32
          %dma_wait3A_65 = tpu.memref_slice %arg14[%dma_wait3A, %dma_wait3A_64] : memref<12544x128xf32, #tpu.memory_space<vmem_shared>> -> memref<12544x128xf32, #tpu.memory_space<vmem_shared>>
          tpu.wait_indirect_dma semaphore(%run_scoped3A : memref<!tpu.dma_semaphore, #tpu.memory_space<semaphore_mem>>) src(%arg12 : memref<160x128xf32, #tpu.memory_space<vmem>>) dst(%dma_wait3A_65 : memref<12544x128xf32, #tpu.memory_space<vmem_shared>>)
          tpu.yield
        }) : () -> ()
        %scan3A_61 = arith.constant 0 : i32
        scf.yield %scan3A_61 : i32
      }
      %scan3A_45 = arith.constant 40 : i32
      %scan3A_46 = arith.constant 0 : i32
      %scan3A_47 = arith.constant 0 : i32
      %scan3A_48 = arith.constant 40 : i32
      %scan3A_49 = arith.addi %scan3A_47, %scan3A_48 : i32
      %scan3A_50 = arith.constant 1 : i32
      %scan3A_51 = scf.for %scan3A_53 = %scan3A_47 to %scan3A_49 step %scan3A_50 iter_args(%scan3A_54 = %scan3A_46) -> (i32)  : i32 {
        %mul3A_55 = arith.constant 6400 : i32
        %mul3A_56 = arith.muli %arg1, %mul3A_55 : i32
        %mul3A_57 = arith.constant 160 : i32
        %mul3A_58 = arith.muli %scan3A_53, %mul3A_57 : i32
        %add3A = arith.addi %mul3A_56, %mul3A_58 : i32
        %add3A_59 = arith.constant 307200 : i32
        %add3A_60 = arith.addi %add3A_59, %add3A : i32
        "tpu.region"() ({
          %run_scoped3A = tpu.sem_alloc : memref<!tpu.dma_semaphore, #tpu.memory_space<semaphore_mem>>
          %dma_start3A = tpu.memref_slice %arg3[%add3A_60] : memref<409600xi32, #tpu.memory_space<hbm>> -> memref<160xi32, #tpu.memory_space<hbm>>
          %dma_start3A_62 = tpu.memref_slice %arg3[%add3A_60] : memref<409600xi32, #tpu.memory_space<hbm>> -> memref<160xi32, #tpu.memory_space<hbm>>
          tpu.enqueue_dma source(%dma_start3A_62 : memref<160xi32, #tpu.memory_space<hbm>>) target(%arg11 : memref<160xi32, #tpu.memory_space<vmem>>) target_semaphore(%run_scoped3A : memref<!tpu.dma_semaphore, #tpu.memory_space<semaphore_mem>>)
          %dma_wait3A = tpu.memref_slice %arg3[%add3A_60] : memref<409600xi32, #tpu.memory_space<hbm>> -> memref<160xi32, #tpu.memory_space<hbm>>
          %dma_wait3A_63 = tpu.memref_slice %arg3[%add3A_60] : memref<409600xi32, #tpu.memory_space<hbm>> -> memref<160xi32, #tpu.memory_space<hbm>>
          tpu.wait_dma2 semaphore(%run_scoped3A : memref<!tpu.dma_semaphore, #tpu.memory_space<semaphore_mem>>) src(%dma_wait3A_63 : memref<160xi32, #tpu.memory_space<hbm>>) dst(%arg11 : memref<160xi32, #tpu.memory_space<vmem>>)
          tpu.yield
        }) : () -> ()
        "tpu.region"() ({
          %run_scoped3A = tpu.sem_alloc : memref<!tpu.dma_semaphore, #tpu.memory_space<semaphore_mem>>
          %dma_start3A = arith.constant 0 : i32
          %dma_start3A_62 = tpu.memref_slice %arg7[%add3A, %dma_start3A] : memref<102400x128xf32, #tpu.memory_space<hbm>> -> memref<160x128xf32, #tpu.memory_space<hbm>>
          %dma_start3A_63 = arith.constant 0 : i32
          %dma_start3A_64 = tpu.memref_slice %arg7[%add3A, %dma_start3A_63] : memref<102400x128xf32, #tpu.memory_space<hbm>> -> memref<160x128xf32, #tpu.memory_space<hbm>>
          tpu.enqueue_dma source(%dma_start3A_64 : memref<160x128xf32, #tpu.memory_space<hbm>>) target(%arg12 : memref<160x128xf32, #tpu.memory_space<vmem>>) target_semaphore(%run_scoped3A : memref<!tpu.dma_semaphore, #tpu.memory_space<semaphore_mem>>)
          %dma_wait3A = arith.constant 0 : i32
          %dma_wait3A_65 = tpu.memref_slice %arg7[%add3A, %dma_wait3A] : memref<102400x128xf32, #tpu.memory_space<hbm>> -> memref<160x128xf32, #tpu.memory_space<hbm>>
          %dma_wait3A_66 = arith.constant 0 : i32
          %dma_wait3A_67 = tpu.memref_slice %arg7[%add3A, %dma_wait3A_66] : memref<102400x128xf32, #tpu.memory_space<hbm>> -> memref<160x128xf32, #tpu.memory_space<hbm>>
          tpu.wait_dma2 semaphore(%run_scoped3A : memref<!tpu.dma_semaphore, #tpu.memory_space<semaphore_mem>>) src(%dma_wait3A_67 : memref<160x128xf32, #tpu.memory_space<hbm>>) dst(%arg12 : memref<160x128xf32, #tpu.memory_space<vmem>>)
          tpu.yield
        }) : () -> ()
        "tpu.region"() ({
          %run_scoped3A = tpu.sem_alloc : memref<!tpu.dma_semaphore, #tpu.memory_space<semaphore_mem>>
          %dma_start3A = arith.constant 0 : i32
          %dma_start3A_62 = arith.constant 0 : i32
          %dma_start3A_63 = tpu.memref_slice %arg14[%dma_start3A, %dma_start3A_62] : memref<12544x128xf32, #tpu.memory_space<vmem_shared>> -> memref<12544x128xf32, #tpu.memory_space<vmem_shared>>
          tpu.enqueue_indirect_dma source(%arg12 : memref<160x128xf32, #tpu.memory_space<vmem>>) target(%dma_start3A_63 : memref<12544x128xf32, #tpu.memory_space<vmem_shared>>) offsets(%arg11 : memref<160xi32, #tpu.memory_space<vmem>>) semaphore(%run_scoped3A : memref<!tpu.dma_semaphore, #tpu.memory_space<semaphore_mem>>) {add = true}
          %dma_wait3A = arith.constant 0 : i32
          %dma_wait3A_64 = arith.constant 0 : i32
          %dma_wait3A_65 = tpu.memref_slice %arg14[%dma_wait3A, %dma_wait3A_64] : memref<12544x128xf32, #tpu.memory_space<vmem_shared>> -> memref<12544x128xf32, #tpu.memory_space<vmem_shared>>
          tpu.wait_indirect_dma semaphore(%run_scoped3A : memref<!tpu.dma_semaphore, #tpu.memory_space<semaphore_mem>>) src(%arg12 : memref<160x128xf32, #tpu.memory_space<vmem>>) dst(%dma_wait3A_65 : memref<12544x128xf32, #tpu.memory_space<vmem_shared>>)
          tpu.yield
        }) : () -> ()
        %scan3A_61 = arith.constant 0 : i32
        scf.yield %scan3A_61 : i32
      }
      %scan3A_52 = arith.constant 40 : i32
    } else {
    }
    %barrier3A_14 = arith.constant 0 : index
    tpu.barrier barrier_id(%barrier3A_14)
    %eq3A_15 = arith.constant 0 : i32
    %eq3A_16 = arith.cmpi eq, %arg0, %eq3A_15 : i32
    %convert_element_type3A_17 = arith.extui %eq3A_16 : i1 to i32
    %cond3A_18 = arith.constant 0 : i32
    %cond3A_19 = arith.cmpi ne, %convert_element_type3A_17, %cond3A_18 : i32
    scf.if %cond3A_19 {
      %scan3A_25 = arith.constant 0 : i32
      %scan3A_26 = arith.constant 0 : i32
      %scan3A_27 = arith.constant 14 : i32
      %scan3A_28 = arith.addi %scan3A_26, %scan3A_27 : i32
      %scan3A_29 = arith.constant 1 : i32
      %scan3A_30 = scf.for %scan3A_32 = %scan3A_26 to %scan3A_28 step %scan3A_29 iter_args(%scan3A_33 = %scan3A_25) -> (i32)  : i32 {
        %mul3A_34 = arith.constant 56 : i32
        %mul3A_35 = arith.muli %scan3A_32, %mul3A_34 : i32
        %add3A = arith.addi %mul3A_0, %mul3A_35 : i32
        "tpu.region"() ({
          %run_scoped3A = tpu.sem_alloc : memref<!tpu.dma_semaphore, #tpu.memory_space<semaphore_mem>>
          %dma_start3A = arith.constant 0 : i32
          %dma_start3A_37 = tpu.memref_slice %arg14[%add3A, %dma_start3A] : memref<12544x128xf32, #tpu.memory_space<vmem_shared>> -> memref<56x128xf32, #tpu.memory_space<vmem_shared>>
          %dma_start3A_38 = arith.constant 0 : i32
          %dma_start3A_39 = tpu.memref_slice %arg14[%add3A, %dma_start3A_38] : memref<12544x128xf32, #tpu.memory_space<vmem_shared>> -> memref<56x128xf32, #tpu.memory_space<vmem_shared>>
          tpu.enqueue_dma source(%dma_start3A_39 : memref<56x128xf32, #tpu.memory_space<vmem_shared>>) target(%arg13 : memref<56x128xf32, #tpu.memory_space<vmem>>) target_semaphore(%run_scoped3A : memref<!tpu.dma_semaphore, #tpu.memory_space<semaphore_mem>>)
          %dma_wait3A = arith.constant 0 : i32
          %dma_wait3A_40 = tpu.memref_slice %arg14[%add3A, %dma_wait3A] : memref<12544x128xf32, #tpu.memory_space<vmem_shared>> -> memref<56x128xf32, #tpu.memory_space<vmem_shared>>
          %dma_wait3A_41 = arith.constant 0 : i32
          %dma_wait3A_42 = tpu.memref_slice %arg14[%add3A, %dma_wait3A_41] : memref<12544x128xf32, #tpu.memory_space<vmem_shared>> -> memref<56x128xf32, #tpu.memory_space<vmem_shared>>
          tpu.wait_dma2 semaphore(%run_scoped3A : memref<!tpu.dma_semaphore, #tpu.memory_space<semaphore_mem>>) src(%dma_wait3A_42 : memref<56x128xf32, #tpu.memory_space<vmem_shared>>) dst(%arg13 : memref<56x128xf32, #tpu.memory_space<vmem>>)
          tpu.yield
        }) : () -> ()
        "tpu.region"() ({
          %run_scoped3A = tpu.sem_alloc : memref<!tpu.dma_semaphore, #tpu.memory_space<semaphore_mem>>
          %dma_start3A = arith.constant 0 : i32
          %dma_start3A_37 = tpu.memref_slice %arg9[%add3A, %dma_start3A] : memref<12544x128xf32, #tpu.memory_space<hbm>> -> memref<56x128xf32, #tpu.memory_space<hbm>>
          %dma_start3A_38 = arith.constant 0 : i32
          %dma_start3A_39 = tpu.memref_slice %arg9[%add3A, %dma_start3A_38] : memref<12544x128xf32, #tpu.memory_space<hbm>> -> memref<56x128xf32, #tpu.memory_space<hbm>>
          tpu.enqueue_dma source(%arg13 : memref<56x128xf32, #tpu.memory_space<vmem>>) target(%dma_start3A_39 : memref<56x128xf32, #tpu.memory_space<hbm>>) target_semaphore(%run_scoped3A : memref<!tpu.dma_semaphore, #tpu.memory_space<semaphore_mem>>)
          %dma_wait3A = arith.constant 0 : i32
          %dma_wait3A_40 = tpu.memref_slice %arg9[%add3A, %dma_wait3A] : memref<12544x128xf32, #tpu.memory_space<hbm>> -> memref<56x128xf32, #tpu.memory_space<hbm>>
          %dma_wait3A_41 = arith.constant 0 : i32
          %dma_wait3A_42 = tpu.memref_slice %arg9[%add3A, %dma_wait3A_41] : memref<12544x128xf32, #tpu.memory_space<hbm>> -> memref<56x128xf32, #tpu.memory_space<hbm>>
          tpu.wait_dma2 semaphore(%run_scoped3A : memref<!tpu.dma_semaphore, #tpu.memory_space<semaphore_mem>>) src(%arg13 : memref<56x128xf32, #tpu.memory_space<vmem>>) dst(%dma_wait3A_42 : memref<56x128xf32, #tpu.memory_space<hbm>>)
          tpu.yield
        }) : () -> ()
        %scan3A_36 = arith.constant 0 : i32
        scf.yield %scan3A_36 : i32
      }
      %scan3A_31 = arith.constant 14 : i32
    } else {
    }
    %eq3A_20 = arith.constant 1 : i32
    %eq3A_21 = arith.cmpi eq, %arg0, %eq3A_20 : i32
    %convert_element_type3A_22 = arith.extui %eq3A_21 : i1 to i32
    %cond3A_23 = arith.constant 0 : i32
    %cond3A_24 = arith.cmpi ne, %convert_element_type3A_22, %cond3A_23 : i32
    scf.if %cond3A_24 {
      %scan3A_25 = arith.constant 0 : i32
      %scan3A_26 = arith.constant 0 : i32
      %scan3A_27 = arith.constant 14 : i32
      %scan3A_28 = arith.addi %scan3A_26, %scan3A_27 : i32
      %scan3A_29 = arith.constant 1 : i32
      %scan3A_30 = scf.for %scan3A_32 = %scan3A_26 to %scan3A_28 step %scan3A_29 iter_args(%scan3A_33 = %scan3A_25) -> (i32)  : i32 {
        %mul3A_34 = arith.constant 56 : i32
        %mul3A_35 = arith.muli %scan3A_32, %mul3A_34 : i32
        %add3A = arith.addi %mul3A_0, %mul3A_35 : i32
        "tpu.region"() ({
          %run_scoped3A = tpu.sem_alloc : memref<!tpu.dma_semaphore, #tpu.memory_space<semaphore_mem>>
          %dma_start3A = arith.constant 0 : i32
          %dma_start3A_37 = tpu.memref_slice %arg14[%add3A, %dma_start3A] : memref<12544x128xf32, #tpu.memory_space<vmem_shared>> -> memref<56x128xf32, #tpu.memory_space<vmem_shared>>
          %dma_start3A_38 = arith.constant 0 : i32
          %dma_start3A_39 = tpu.memref_slice %arg14[%add3A, %dma_start3A_38] : memref<12544x128xf32, #tpu.memory_space<vmem_shared>> -> memref<56x128xf32, #tpu.memory_space<vmem_shared>>
          tpu.enqueue_dma source(%dma_start3A_39 : memref<56x128xf32, #tpu.memory_space<vmem_shared>>) target(%arg13 : memref<56x128xf32, #tpu.memory_space<vmem>>) target_semaphore(%run_scoped3A : memref<!tpu.dma_semaphore, #tpu.memory_space<semaphore_mem>>)
          %dma_wait3A = arith.constant 0 : i32
          %dma_wait3A_40 = tpu.memref_slice %arg14[%add3A, %dma_wait3A] : memref<12544x128xf32, #tpu.memory_space<vmem_shared>> -> memref<56x128xf32, #tpu.memory_space<vmem_shared>>
          %dma_wait3A_41 = arith.constant 0 : i32
          %dma_wait3A_42 = tpu.memref_slice %arg14[%add3A, %dma_wait3A_41] : memref<12544x128xf32, #tpu.memory_space<vmem_shared>> -> memref<56x128xf32, #tpu.memory_space<vmem_shared>>
          tpu.wait_dma2 semaphore(%run_scoped3A : memref<!tpu.dma_semaphore, #tpu.memory_space<semaphore_mem>>) src(%dma_wait3A_42 : memref<56x128xf32, #tpu.memory_space<vmem_shared>>) dst(%arg13 : memref<56x128xf32, #tpu.memory_space<vmem>>)
          tpu.yield
        }) : () -> ()
        "tpu.region"() ({
          %run_scoped3A = tpu.sem_alloc : memref<!tpu.dma_semaphore, #tpu.memory_space<semaphore_mem>>
          %dma_start3A = arith.constant 0 : i32
          %dma_start3A_37 = tpu.memref_slice %arg10[%add3A, %dma_start3A] : memref<12544x128xf32, #tpu.memory_space<hbm>> -> memref<56x128xf32, #tpu.memory_space<hbm>>
          %dma_start3A_38 = arith.constant 0 : i32
          %dma_start3A_39 = tpu.memref_slice %arg10[%add3A, %dma_start3A_38] : memref<12544x128xf32, #tpu.memory_space<hbm>> -> memref<56x128xf32, #tpu.memory_space<hbm>>
          tpu.enqueue_dma source(%arg13 : memref<56x128xf32, #tpu.memory_space<vmem>>) target(%dma_start3A_39 : memref<56x128xf32, #tpu.memory_space<hbm>>) target_semaphore(%run_scoped3A : memref<!tpu.dma_semaphore, #tpu.memory_space<semaphore_mem>>)
          %dma_wait3A = arith.constant 0 : i32
          %dma_wait3A_40 = tpu.memref_slice %arg10[%add3A, %dma_wait3A] : memref<12544x128xf32, #tpu.memory_space<hbm>> -> memref<56x128xf32, #tpu.memory_space<hbm>>
          %dma_wait3A_41 = arith.constant 0 : i32
          %dma_wait3A_42 = tpu.memref_slice %arg10[%add3A, %dma_wait3A_41] : memref<12544x128xf32, #tpu.memory_space<hbm>> -> memref<56x128xf32, #tpu.memory_space<hbm>>
          tpu.wait_dma2 semaphore(%run_scoped3A : memref<!tpu.dma_semaphore, #tpu.memory_space<semaphore_mem>>) src(%arg13 : memref<56x128xf32, #tpu.memory_space<vmem>>) dst(%dma_wait3A_42 : memref<56x128xf32, #tpu.memory_space<hbm>>)
          tpu.yield
        }) : () -> ()
        %scan3A_36 = arith.constant 0 : i32
        scf.yield %scan3A_36 : i32
      }
      %scan3A_31 = arith.constant 14 : i32
    } else {
    }
    return
  }
}

module attributes {stable_mosaic.version = 14 : i64} {
  func.func @_tables_body(%arg0: i32, %arg1: memref<512x128xf32, #tpu.memory_space<vmem>>, %arg2: memref<512x1xf32, #tpu.memory_space<vmem>>, %arg3: memref<512x1xf32, #tpu.memory_space<vmem>>, %arg4: memref<128x64xf32, #tpu.memory_space<vmem>>, %arg5: memref<1x64xf32, #tpu.memory_space<vmem>>, %arg6: memref<128x128xf32, #tpu.memory_space<vmem>>, %arg7: memref<1x128xf32, #tpu.memory_space<vmem>>, %arg8: memref<128x64xf32, #tpu.memory_space<vmem>>, %arg9: memref<1x64xf32, #tpu.memory_space<vmem>>, %arg10: memref<64x128xf32, #tpu.memory_space<vmem>>, %arg11: memref<64x128xf32, #tpu.memory_space<vmem>>, %arg12: memref<512x128xf32, #tpu.memory_space<vmem>>) attributes {dimension_semantics = [#tpu.dimension_semantics<arbitrary>], iteration_bounds = array<i64: 98>, scalar_prefetch = 0 : i64, scratch_operands = 0 : i64, tpu.core_type = #tpu.core_type<tc>, window_params = [{transform_indices = @transform_0, window_bounds = array<i64: 512, 128>}, {transform_indices = @transform_1, window_bounds = array<i64: 512, 1>}, {transform_indices = @transform_2, window_bounds = array<i64: 512, 1>}, {pipeline_mode = #tpu.pipeline_mode<synchronous>, transform_indices = @transform_3, window_bounds = array<i64: 128, 64>}, {pipeline_mode = #tpu.pipeline_mode<synchronous>, transform_indices = @transform_4, window_bounds = array<i64: 1, 64>}, {pipeline_mode = #tpu.pipeline_mode<synchronous>, transform_indices = @transform_5, window_bounds = array<i64: 128, 128>}, {pipeline_mode = #tpu.pipeline_mode<synchronous>, transform_indices = @transform_6, window_bounds = array<i64: 1, 128>}, {pipeline_mode = #tpu.pipeline_mode<synchronous>, transform_indices = @transform_7, window_bounds = array<i64: 128, 64>}, {pipeline_mode = #tpu.pipeline_mode<synchronous>, transform_indices = @transform_8, window_bounds = array<i64: 1, 64>}, {pipeline_mode = #tpu.pipeline_mode<synchronous>, transform_indices = @transform_9, window_bounds = array<i64: 64, 128>}, {pipeline_mode = #tpu.pipeline_mode<synchronous>, transform_indices = @transform_10, window_bounds = array<i64: 64, 128>}, {transform_indices = @transform_11, window_bounds = array<i64: 512, 128>}]} {
    %get3A = arith.constant 0 : index
    %get3A_0 = arith.constant 0 : index
    %get3A_1 = vector.load %arg1[%get3A, %get3A_0] : memref<512x128xf32, #tpu.memory_space<vmem>>, vector<512x128xf32>
    %get3A_2 = arith.constant 0 : index
    %get3A_3 = arith.constant 0 : index
    %get3A_4 = vector.load %arg2[%get3A_2, %get3A_3] : memref<512x1xf32, #tpu.memory_space<vmem>>, vector<512x1xf32>
    %get3A_5 = arith.constant 0 : index
    %get3A_6 = arith.constant 0 : index
    %get3A_7 = vector.load %arg3[%get3A_5, %get3A_6] : memref<512x1xf32, #tpu.memory_space<vmem>>, vector<512x1xf32>
    %add3A = arith.addf %get3A_4, %get3A_7 : vector<512x1xf32>
    %max3A = arith.constant 1.000000e+00 : f32
    %max3A_8 = vector.broadcast %max3A : f32 to vector<512x1xf32>
    %max3A_9 = arith.maximumf %add3A, %max3A_8 : vector<512x1xf32>
    %sqrt3A = math.sqrt %max3A_9 : vector<512x1xf32>
    %sqrt3A_10 = math.sqrt %sqrt3A : vector<512x1xf32>
    %iota3A = tpu.iota {dimensions = array<i32: 1>} : vector<512x64xi32>
    %get3A_11 = arith.constant 0 : index
    %get3A_12 = arith.constant 0 : index
    %get3A_13 = vector.load %arg4[%get3A_11, %get3A_12] : memref<128x64xf32, #tpu.memory_space<vmem>>, vector<128x64xf32>
    %dot_general3A = arith.constant dense<0.000000e+00> : vector<512x64xf32>
    %dot_general3A_14 = tpu.matmul %get3A_1, %get3A_13, %dot_general3A {dimension_numbers = #tpu.dot_dimension_numbers<[1], [0], [0], [1], [0, 0, 1, 1], [], []>, transpose_lhs_hint = false} : vector<512x128xf32>, vector<128x64xf32>, vector<512x64xf32> -> vector<512x64xf32>
    %get3A_15 = arith.constant 0 : index
    %get3A_16 = arith.constant 0 : index
    %get3A_17 = vector.load %arg5[%get3A_15, %get3A_16] : memref<1x64xf32, #tpu.memory_space<vmem>>, vector<1x64xf32>
    %add3A_18 = vector.broadcast %get3A_17 : vector<1x64xf32> to vector<512x64xf32>
    %add3A_19 = arith.addf %dot_general3A_14, %add3A_18 : vector<512x64xf32>
    %eq3A = arith.constant 63 : i32
    %eq3A_20 = vector.broadcast %eq3A : i32 to vector<512x64xi32>
    %eq3A_21 = arith.cmpi eq, %iota3A, %eq3A_20 : vector<512x64xi32>
    %broadcast_in_dim3A = vector.shape_cast %sqrt3A_10 : vector<512x1xf32> to vector<512x1xf32>
    %broadcast_in_dim3A_22 = vector.broadcast %broadcast_in_dim3A : vector<512x1xf32> to vector<512x64xf32>
    %select_n3A = arith.select %eq3A_21, %broadcast_in_dim3A_22, %add3A_19 : vector<512x64xi1>, vector<512x64xf32>
    %get3A_23 = arith.constant 0 : index
    %get3A_24 = arith.constant 0 : index
    %get3A_25 = vector.load %arg6[%get3A_23, %get3A_24] : memref<128x128xf32, #tpu.memory_space<vmem>>, vector<128x128xf32>
    %dot_general3A_26 = arith.constant dense<0.000000e+00> : vector<512x128xf32>
    %dot_general3A_27 = tpu.matmul %get3A_1, %get3A_25, %dot_general3A_26 {dimension_numbers = #tpu.dot_dimension_numbers<[1], [0], [0], [1], [0, 0, 1, 1], [], []>, transpose_lhs_hint = false} : vector<512x128xf32>, vector<128x128xf32>, vector<512x128xf32> -> vector<512x128xf32>
    %get3A_28 = arith.constant 0 : index
    %get3A_29 = arith.constant 0 : index
    %get3A_30 = vector.load %arg7[%get3A_28, %get3A_29] : memref<1x128xf32, #tpu.memory_space<vmem>>, vector<1x128xf32>
    %add3A_31 = vector.broadcast %get3A_30 : vector<1x128xf32> to vector<512x128xf32>
    %add3A_32 = arith.addf %dot_general3A_27, %add3A_31 : vector<512x128xf32>
    %max3A_33 = arith.constant 0.000000e+00 : f32
    %max3A_34 = vector.broadcast %max3A_33 : f32 to vector<512x128xf32>
    %max3A_35 = arith.maximumf %add3A_32, %max3A_34 : vector<512x128xf32>
    %get3A_36 = arith.constant 0 : index
    %get3A_37 = arith.constant 0 : index
    %get3A_38 = vector.load %arg8[%get3A_36, %get3A_37] : memref<128x64xf32, #tpu.memory_space<vmem>>, vector<128x64xf32>
    %dot_general3A_39 = arith.constant dense<0.000000e+00> : vector<512x64xf32>
    %dot_general3A_40 = tpu.matmul %max3A_35, %get3A_38, %dot_general3A_39 {dimension_numbers = #tpu.dot_dimension_numbers<[1], [0], [0], [1], [0, 0, 1, 1], [], []>, transpose_lhs_hint = false} : vector<512x128xf32>, vector<128x64xf32>, vector<512x64xf32> -> vector<512x64xf32>
    %get3A_41 = arith.constant 0 : index
    %get3A_42 = arith.constant 0 : index
    %get3A_43 = vector.load %arg9[%get3A_41, %get3A_42] : memref<1x64xf32, #tpu.memory_space<vmem>>, vector<1x64xf32>
    %add3A_44 = vector.broadcast %get3A_43 : vector<1x64xf32> to vector<512x64xf32>
    %add3A_45 = arith.addf %dot_general3A_40, %add3A_44 : vector<512x64xf32>
    %get3A_46 = arith.constant 0 : index
    %get3A_47 = arith.constant 0 : index
    %get3A_48 = vector.load %arg10[%get3A_46, %get3A_47] : memref<64x128xf32, #tpu.memory_space<vmem>>, vector<64x128xf32>
    %dot_general3A_49 = arith.constant dense<0.000000e+00> : vector<512x128xf32>
    %dot_general3A_50 = tpu.matmul %select_n3A, %get3A_48, %dot_general3A_49 {dimension_numbers = #tpu.dot_dimension_numbers<[1], [0], [0], [1], [0, 0, 1, 1], [], []>, transpose_lhs_hint = false} : vector<512x64xf32>, vector<64x128xf32>, vector<512x128xf32> -> vector<512x128xf32>
    %get3A_51 = arith.constant 0 : index
    %get3A_52 = arith.constant 0 : index
    %get3A_53 = vector.load %arg11[%get3A_51, %get3A_52] : memref<64x128xf32, #tpu.memory_space<vmem>>, vector<64x128xf32>
    %dot_general3A_54 = arith.constant dense<0.000000e+00> : vector<512x128xf32>
    %dot_general3A_55 = tpu.matmul %add3A_45, %get3A_53, %dot_general3A_54 {dimension_numbers = #tpu.dot_dimension_numbers<[1], [0], [0], [1], [0, 0, 1, 1], [], []>, transpose_lhs_hint = false} : vector<512x64xf32>, vector<64x128xf32>, vector<512x128xf32> -> vector<512x128xf32>
    %add3A_56 = arith.addf %dot_general3A_50, %dot_general3A_55 : vector<512x128xf32>
    %swap3A = arith.constant 0 : index
    %swap3A_57 = arith.constant 0 : index
    %swap3A_58 = vector.load %arg12[%swap3A, %swap3A_57] : memref<512x128xf32, #tpu.memory_space<vmem>>, vector<512x128xf32>
    tpu.vector_store %arg12[%swap3A, %swap3A_57], %add3A_56 {strides = array<i32>} : memref<512x128xf32, #tpu.memory_space<vmem>>, vector<512x128xf32>,
    return
  }
  func.func @transform_0(%arg0: i32) -> (i32, i32) {
    %c0_i32 = arith.constant 0 : i32
    %c0_i32_0 = arith.constant 0 : i32
    return %arg0, %c0_i32 : i32, i32
  }
  func.func @transform_1(%arg0: i32) -> (i32, i32) {
    %c0_i32 = arith.constant 0 : i32
    %c0_i32_0 = arith.constant 0 : i32
    return %arg0, %c0_i32 : i32, i32
  }
  func.func @transform_2(%arg0: i32) -> (i32, i32) {
    %c0_i32 = arith.constant 0 : i32
    %c0_i32_0 = arith.constant 0 : i32
    return %arg0, %c0_i32 : i32, i32
  }
  func.func @transform_3(%arg0: i32) -> (i32, i32) {
    %c0_i32 = arith.constant 0 : i32
    %c0_i32_0 = arith.constant 0 : i32
    %c0_i32_1 = arith.constant 0 : i32
    return %c0_i32, %c0_i32_0 : i32, i32
  }
  func.func @transform_4(%arg0: i32) -> (i32, i32) {
    %c0_i32 = arith.constant 0 : i32
    %c0_i32_0 = arith.constant 0 : i32
    %c0_i32_1 = arith.constant 0 : i32
    return %c0_i32, %c0_i32_0 : i32, i32
  }
  func.func @transform_5(%arg0: i32) -> (i32, i32) {
    %c0_i32 = arith.constant 0 : i32
    %c0_i32_0 = arith.constant 0 : i32
    %c0_i32_1 = arith.constant 0 : i32
    return %c0_i32, %c0_i32_0 : i32, i32
  }
  func.func @transform_6(%arg0: i32) -> (i32, i32) {
    %c0_i32 = arith.constant 0 : i32
    %c0_i32_0 = arith.constant 0 : i32
    %c0_i32_1 = arith.constant 0 : i32
    return %c0_i32, %c0_i32_0 : i32, i32
  }
  func.func @transform_7(%arg0: i32) -> (i32, i32) {
    %c0_i32 = arith.constant 0 : i32
    %c0_i32_0 = arith.constant 0 : i32
    %c0_i32_1 = arith.constant 0 : i32
    return %c0_i32, %c0_i32_0 : i32, i32
  }
  func.func @transform_8(%arg0: i32) -> (i32, i32) {
    %c0_i32 = arith.constant 0 : i32
    %c0_i32_0 = arith.constant 0 : i32
    %c0_i32_1 = arith.constant 0 : i32
    return %c0_i32, %c0_i32_0 : i32, i32
  }
  func.func @transform_9(%arg0: i32) -> (i32, i32) {
    %c0_i32 = arith.constant 0 : i32
    %c0_i32_0 = arith.constant 0 : i32
    %c0_i32_1 = arith.constant 0 : i32
    return %c0_i32, %c0_i32_0 : i32, i32
  }
  func.func @transform_10(%arg0: i32) -> (i32, i32) {
    %c0_i32 = arith.constant 0 : i32
    %c0_i32_0 = arith.constant 0 : i32
    %c0_i32_1 = arith.constant 0 : i32
    return %c0_i32, %c0_i32_0 : i32, i32
  }
  func.func @transform_11(%arg0: i32) -> (i32, i32) {
    %c0_i32 = arith.constant 0 : i32
    %c0_i32_0 = arith.constant 0 : i32
    return %arg0, %c0_i32 : i32, i32
  }
}

module attributes {stable_mosaic.version = 14 : i64} {
  func.func @_combine_body_split(%arg0: i32, %arg1: memref<4x512x128xf32, #tpu.memory_space<vmem>>, %arg2: memref<4x512xi32, #tpu.memory_space<vmem>>, %arg3: memref<64x64xf32, #tpu.memory_space<vmem>>, %arg4: memref<1x64xf32, #tpu.memory_space<vmem>>, %arg5: memref<4x512x128xf32, #tpu.memory_space<vmem>>) attributes {dimension_semantics = [#tpu.dimension_semantics<arbitrary>], iteration_bounds = array<i64: 200>, scalar_prefetch = 0 : i64, scratch_operands = 0 : i64, tpu.core_type = #tpu.core_type<tc>, window_params = [{transform_indices = @transform_0, window_bounds = array<i64: 4, 512, 128>}, {transform_indices = @transform_1, window_bounds = array<i64: 4, 512>}, {pipeline_mode = #tpu.pipeline_mode<synchronous>, transform_indices = @transform_2, window_bounds = array<i64: 64, 64>}, {pipeline_mode = #tpu.pipeline_mode<synchronous>, transform_indices = @transform_3, window_bounds = array<i64: 1, 64>}, {transform_indices = @transform_4, window_bounds = array<i64: 4, 512, 128>}]} {
    %get3A = arith.constant 0 : index
    %get3A_0 = arith.constant 0 : index
    %get3A_1 = arith.constant 0 : index
    %get3A_2 = vector.load %arg1[%get3A, %get3A_0, %get3A_1] : memref<4x512x128xf32, #tpu.memory_space<vmem>>, vector<4x512x128xf32>
    %get3A_3 = arith.constant 0 : index
    %get3A_4 = arith.constant 0 : index
    %get3A_5 = vector.load %arg2[%get3A_3, %get3A_4] : memref<4x512xi32, #tpu.memory_space<vmem>>, vector<4x512xi32>
    %slice3A = vector.extract_strided_slice %get3A_2 {offsets = [0, 0, 0], sizes = [4, 512, 64], strides = [1, 1, 1]} : vector<4x512x128xf32> to vector<4x512x64xf32>
    %slice3A_6 = vector.extract_strided_slice %get3A_2 {offsets = [0, 0, 64], sizes = [4, 512, 64], strides = [1, 1, 1]} : vector<4x512x128xf32> to vector<4x512x64xf32>
    %slice3A_7 = vector.extract_strided_slice %slice3A {offsets = [0, 0, 0], sizes = [1, 512, 64], strides = [1, 1, 1]} : vector<4x512x64xf32> to vector<1x512x64xf32>
    %squeeze3A = vector.shape_cast %slice3A_7 : vector<1x512x64xf32> to vector<512x64xf32>
    %slice3A_8 = vector.extract_strided_slice %slice3A {offsets = [1, 0, 0], sizes = [1, 512, 64], strides = [1, 1, 1]} : vector<4x512x64xf32> to vector<1x512x64xf32>
    %squeeze3A_9 = vector.shape_cast %slice3A_8 : vector<1x512x64xf32> to vector<512x64xf32>
    %slice3A_10 = vector.extract_strided_slice %slice3A {offsets = [2, 0, 0], sizes = [1, 512, 64], strides = [1, 1, 1]} : vector<4x512x64xf32> to vector<1x512x64xf32>
    %squeeze3A_11 = vector.shape_cast %slice3A_10 : vector<1x512x64xf32> to vector<512x64xf32>
    %slice3A_12 = vector.extract_strided_slice %slice3A {offsets = [3, 0, 0], sizes = [1, 512, 64], strides = [1, 1, 1]} : vector<4x512x64xf32> to vector<1x512x64xf32>
    %squeeze3A_13 = vector.shape_cast %slice3A_12 : vector<1x512x64xf32> to vector<512x64xf32>
    %slice3A_14 = vector.extract_strided_slice %squeeze3A {offsets = [0, 63], sizes = [512, 1], strides = [1, 1]} : vector<512x64xf32> to vector<512x1xf32>
    %slice3A_15 = vector.extract_strided_slice %squeeze3A_9 {offsets = [0, 63], sizes = [512, 1], strides = [1, 1]} : vector<512x64xf32> to vector<512x1xf32>
    %mul3A = arith.mulf %slice3A_14, %slice3A_15 : vector<512x1xf32>
    %slice3A_16 = vector.extract_strided_slice %squeeze3A_11 {offsets = [0, 63], sizes = [512, 1], strides = [1, 1]} : vector<512x64xf32> to vector<512x1xf32>
    %slice3A_17 = vector.extract_strided_slice %squeeze3A_13 {offsets = [0, 63], sizes = [512, 1], strides = [1, 1]} : vector<512x64xf32> to vector<512x1xf32>
    %mul3A_18 = arith.mulf %slice3A_16, %slice3A_17 : vector<512x1xf32>
    %mul3A_19 = arith.mulf %mul3A, %mul3A_18 : vector<512x1xf32>
    %mul3A_20 = arith.constant 0.166666672 : f32
    %mul3A_21 = vector.broadcast %mul3A_20 : f32 to vector<512x1xf32>
    %mul3A_22 = arith.mulf %mul3A_21, %mul3A_19 : vector<512x1xf32>
    %mul3A_23 = arith.mulf %squeeze3A, %squeeze3A_9 : vector<512x64xf32>
    %mul3A_24 = arith.mulf %squeeze3A_11, %squeeze3A_13 : vector<512x64xf32>
    %get3A_25 = arith.constant 0 : index
    %get3A_26 = arith.constant 0 : index
    %get3A_27 = vector.load %arg3[%get3A_25, %get3A_26] : memref<64x64xf32, #tpu.memory_space<vmem>>, vector<64x64xf32>
    %get3A_28 = arith.constant 0 : index
    %get3A_29 = arith.constant 0 : index
    %get3A_30 = vector.load %arg4[%get3A_28, %get3A_29] : memref<1x64xf32, #tpu.memory_space<vmem>>, vector<1x64xf32>
    %slice3A_31 = vector.extract_strided_slice %slice3A_6 {offsets = [0, 0, 0], sizes = [1, 512, 64], strides = [1, 1, 1]} : vector<4x512x64xf32> to vector<1x512x64xf32>
    %squeeze3A_32 = vector.shape_cast %slice3A_31 : vector<1x512x64xf32> to vector<512x64xf32>
    %slice3A_33 = vector.extract_strided_slice %slice3A_6 {offsets = [1, 0, 0], sizes = [1, 512, 64], strides = [1, 1, 1]} : vector<4x512x64xf32> to vector<1x512x64xf32>
    %squeeze3A_34 = vector.shape_cast %slice3A_33 : vector<1x512x64xf32> to vector<512x64xf32>
    %add3A = arith.addf %squeeze3A_32, %squeeze3A_34 : vector<512x64xf32>
    %slice3A_35 = vector.extract_strided_slice %slice3A_6 {offsets = [2, 0, 0], sizes = [1, 512, 64], strides = [1, 1, 1]} : vector<4x512x64xf32> to vector<1x512x64xf32>
    %squeeze3A_36 = vector.shape_cast %slice3A_35 : vector<1x512x64xf32> to vector<512x64xf32>
    %add3A_37 = arith.addf %add3A, %squeeze3A_36 : vector<512x64xf32>
    %slice3A_38 = vector.extract_strided_slice %slice3A_6 {offsets = [3, 0, 0], sizes = [1, 512, 64], strides = [1, 1, 1]} : vector<4x512x64xf32> to vector<1x512x64xf32>
    %squeeze3A_39 = vector.shape_cast %slice3A_38 : vector<1x512x64xf32> to vector<512x64xf32>
    %add3A_40 = arith.addf %add3A_37, %squeeze3A_39 : vector<512x64xf32>
    %max3A = arith.constant 0.000000e+00 : f32
    %max3A_41 = vector.broadcast %max3A : f32 to vector<512x64xf32>
    %max3A_42 = arith.maximumf %add3A_40, %max3A_41 : vector<512x64xf32>
    %add3A_43 = vector.broadcast %get3A_30 : vector<1x64xf32> to vector<512x64xf32>
    %add3A_44 = arith.addf %max3A_42, %add3A_43 : vector<512x64xf32>
    %mul3A_45 = arith.mulf %squeeze3A_9, %mul3A_24 : vector<512x64xf32>
    %mul3A_46 = arith.mulf %squeeze3A, %mul3A_24 : vector<512x64xf32>
    %mul3A_47 = arith.mulf %mul3A_23, %squeeze3A_13 : vector<512x64xf32>
    %mul3A_48 = arith.mulf %mul3A_23, %squeeze3A_11 : vector<512x64xf32>
    %iota3A = tpu.iota {dimensions = array<i32: 1>} : vector<512x128xi32>
    %jit3A = arith.constant 64 : i32
    %div3A = vector.broadcast %jit3A : i32 to vector<512x128xi32>
    %div3A_49 = arith.divsi %iota3A, %div3A : vector<512x128xi32>
    %sign3A = arith.constant 0 : i32
    %sign3A_50 = vector.broadcast %sign3A : i32 to vector<512x128xi32>
    %sign3A_51 = arith.cmpi sgt, %iota3A, %sign3A_50 : vector<512x128xi32>
    %sign3A_52 = arith.extui %sign3A_51 : vector<512x128xi1> to vector<512x128xi32>
    %sign3A_53 = arith.constant 0 : i32
    %sign3A_54 = vector.broadcast %sign3A_53 : i32 to vector<512x128xi32>
    %sign3A_55 = arith.cmpi slt, %iota3A, %sign3A_54 : vector<512x128xi32>
    %sign3A_56 = arith.extui %sign3A_55 : vector<512x128xi1> to vector<512x128xi32>
    %sign3A_57 = arith.subi %sign3A_52, %sign3A_56 : vector<512x128xi32>
    %sign3A_58 = arith.constant 0 : i32
    %sign3A_59 = arith.cmpi sgt, %jit3A, %sign3A_58 : i32
    %sign3A_60 = arith.extui %sign3A_59 : i1 to i32
    %sign3A_61 = arith.constant 0 : i32
    %sign3A_62 = arith.cmpi slt, %jit3A, %sign3A_61 : i32
    %sign3A_63 = arith.extui %sign3A_62 : i1 to i32
    %sign3A_64 = arith.subi %sign3A_60, %sign3A_63 : i32
    %ne3A = vector.broadcast %sign3A_64 : i32 to vector<512x128xi32>
    %ne3A_65 = arith.cmpi ne, %sign3A_57, %ne3A : vector<512x128xi32>
    %rem3A = vector.broadcast %jit3A : i32 to vector<512x128xi32>
    %rem3A_66 = arith.remsi %iota3A, %rem3A : vector<512x128xi32>
    %ne3A_67 = arith.constant 0 : i32
    %ne3A_68 = vector.broadcast %ne3A_67 : i32 to vector<512x128xi32>
    %ne3A_69 = arith.cmpi ne, %rem3A_66, %ne3A_68 : vector<512x128xi32>
    %and3A = arith.andi %ne3A_65, %ne3A_69 : vector<512x128xi1>
    %sub3A = arith.constant 1 : i32
    %sub3A_70 = vector.broadcast %sub3A : i32 to vector<512x128xi32>
    %sub3A_71 = arith.subi %div3A_49, %sub3A_70 : vector<512x128xi32>
    %select_n3A = arith.select %and3A, %sub3A_71, %div3A_49 : vector<512x128xi1>, vector<512x128xi32>
    %mul3A_72 = vector.broadcast %mul3A_22 : vector<512x1xf32> to vector<512x64xf32>
    %mul3A_73 = arith.mulf %mul3A_72, %mul3A_45 : vector<512x64xf32>
    %tanh3A = math.tanh %mul3A_73 : vector<512x64xf32>
    %dot_general3A = arith.constant dense<0.000000e+00> : vector<512x64xf32>
    %dot_general3A_74 = tpu.matmul %tanh3A, %get3A_27, %dot_general3A {dimension_numbers = #tpu.dot_dimension_numbers<[1], [0], [0], [1], [0, 0, 1, 1], [], []>, transpose_lhs_hint = false} : vector<512x64xf32>, vector<64x64xf32>, vector<512x64xf32> -> vector<512x64xf32>
    %add3A_75 = arith.addf %dot_general3A_74, %add3A_44 : vector<512x64xf32>
    %slice3A_76 = vector.extract_strided_slice %get3A_5 {offsets = [0, 0], sizes = [1, 512], strides = [1, 1]} : vector<4x512xi32> to vector<1x512xi32>
    %squeeze3A_77 = vector.shape_cast %slice3A_76 : vector<1x512xi32> to vector<512xi32>
    %jit3A_78 = arith.constant 2 : i32
    %eq3A = arith.constant 0 : i32
    %eq3A_79 = arith.cmpi eq, %jit3A_78, %eq3A : i32
    %jit3A_80 = arith.constant 1 : i32
    %select_n3A_81 = arith.select %eq3A_79, %jit3A_80, %jit3A_78 : i32
    %rem3A_82 = vector.broadcast %select_n3A_81 : i32 to vector<512xi32>
    %rem3A_83 = arith.remsi %squeeze3A_77, %rem3A_82 : vector<512xi32>
    %ne3A_84 = arith.constant 0 : i32
    %ne3A_85 = vector.broadcast %ne3A_84 : i32 to vector<512xi32>
    %ne3A_86 = arith.cmpi ne, %rem3A_83, %ne3A_85 : vector<512xi32>
    %lt3A = arith.constant 0 : i32
    %lt3A_87 = vector.broadcast %lt3A : i32 to vector<512xi32>
    %lt3A_88 = arith.cmpi slt, %rem3A_83, %lt3A_87 : vector<512xi32>
    %lt3A_89 = arith.constant 0 : i32
    %lt3A_90 = arith.cmpi slt, %select_n3A_81, %lt3A_89 : i32
    %ne3A_91 = vector.broadcast %lt3A_90 : i1 to vector<512xi1>
    %ne3A_92 = vector.broadcast %ne3A_91 : vector<512xi1> to vector<512xi1>
    %ne3A_93 = arith.xori %lt3A_88, %ne3A_92 : vector<512xi1>
    %and3A_94 = arith.andi %ne3A_93, %ne3A_86 : vector<512xi1>
    %add3A_95 = vector.broadcast %select_n3A_81 : i32 to vector<512xi32>
    %add3A_96 = arith.addi %rem3A_83, %add3A_95 : vector<512xi32>
    %select_n3A_97 = arith.select %and3A_94, %add3A_96, %rem3A_83 : vector<512xi1>, vector<512xi32>
    %reshape3A = vector.shape_cast %select_n3A_97 : vector<512xi32> to vector<512x1xi32>
    %eq3A_98 = vector.broadcast %reshape3A : vector<512x1xi32> to vector<512x128xi32>
    %eq3A_99 = arith.cmpi eq, %select_n3A, %eq3A_98 : vector<512x128xi32>
    %concatenate3A = tpu.concatenate %add3A_75, %add3A_75 in 1 : vector<512x64xf32>, vector<512x64xf32> -> vector<512x128xf32>
    %jit3A_100 = arith.constant 0.000000e+00 : f32
    %broadcast_in_dim3A = vector.broadcast %jit3A_100 : f32 to vector<512x128xf32>
    %select_n3A_101 = arith.select %eq3A_99, %concatenate3A, %broadcast_in_dim3A : vector<512x128xi1>, vector<512x128xf32>
    %swap3A = arith.constant 0 : index
    %swap3A_102 = arith.constant 0 : index
    %swap3A_103 = arith.constant 0 : index
    %swap3A_104 = vector.load %arg5[%swap3A, %swap3A_102, %swap3A_103] : memref<4x512x128xf32, #tpu.memory_space<vmem>>, vector<1x512x128xf32>
    %swap3A_105 = vector.shape_cast %swap3A_104 : vector<1x512x128xf32> to vector<512x128xf32>
    %swap3A_106 = vector.shape_cast %select_n3A_101 : vector<512x128xf32> to vector<1x512x128xf32>
    tpu.vector_store %arg5[%swap3A, %swap3A_102, %swap3A_103], %swap3A_106 {strides = array<i32>} : memref<4x512x128xf32, #tpu.memory_space<vmem>>, vector<1x512x128xf32>,
    %mul3A_107 = vector.broadcast %mul3A_22 : vector<512x1xf32> to vector<512x64xf32>
    %mul3A_108 = arith.mulf %mul3A_107, %mul3A_46 : vector<512x64xf32>
    %tanh3A_109 = math.tanh %mul3A_108 : vector<512x64xf32>
    %dot_general3A_110 = arith.constant dense<0.000000e+00> : vector<512x64xf32>
    %dot_general3A_111 = tpu.matmul %tanh3A_109, %get3A_27, %dot_general3A_110 {dimension_numbers = #tpu.dot_dimension_numbers<[1], [0], [0], [1], [0, 0, 1, 1], [], []>, transpose_lhs_hint = false} : vector<512x64xf32>, vector<64x64xf32>, vector<512x64xf32> -> vector<512x64xf32>
    %add3A_112 = arith.addf %dot_general3A_111, %add3A_44 : vector<512x64xf32>
    %slice3A_113 = vector.extract_strided_slice %get3A_5 {offsets = [1, 0], sizes = [1, 512], strides = [1, 1]} : vector<4x512xi32> to vector<1x512xi32>
    %squeeze3A_114 = vector.shape_cast %slice3A_113 : vector<1x512xi32> to vector<512xi32>
    %jit3A_115 = arith.constant 2 : i32
    %eq3A_116 = arith.constant 0 : i32
    %eq3A_117 = arith.cmpi eq, %jit3A_115, %eq3A_116 : i32
    %jit3A_118 = arith.constant 1 : i32
    %select_n3A_119 = arith.select %eq3A_117, %jit3A_118, %jit3A_115 : i32
    %rem3A_120 = vector.broadcast %select_n3A_119 : i32 to vector<512xi32>
    %rem3A_121 = arith.remsi %squeeze3A_114, %rem3A_120 : vector<512xi32>
    %ne3A_122 = arith.constant 0 : i32
    %ne3A_123 = vector.broadcast %ne3A_122 : i32 to vector<512xi32>
    %ne3A_124 = arith.cmpi ne, %rem3A_121, %ne3A_123 : vector<512xi32>
    %lt3A_125 = arith.constant 0 : i32
    %lt3A_126 = vector.broadcast %lt3A_125 : i32 to vector<512xi32>
    %lt3A_127 = arith.cmpi slt, %rem3A_121, %lt3A_126 : vector<512xi32>
    %lt3A_128 = arith.constant 0 : i32
    %lt3A_129 = arith.cmpi slt, %select_n3A_119, %lt3A_128 : i32
    %ne3A_130 = vector.broadcast %lt3A_129 : i1 to vector<512xi1>
    %ne3A_131 = vector.broadcast %ne3A_130 : vector<512xi1> to vector<512xi1>
    %ne3A_132 = arith.xori %lt3A_127, %ne3A_131 : vector<512xi1>
    %and3A_133 = arith.andi %ne3A_132, %ne3A_124 : vector<512xi1>
    %add3A_134 = vector.broadcast %select_n3A_119 : i32 to vector<512xi32>
    %add3A_135 = arith.addi %rem3A_121, %add3A_134 : vector<512xi32>
    %select_n3A_136 = arith.select %and3A_133, %add3A_135, %rem3A_121 : vector<512xi1>, vector<512xi32>
    %reshape3A_137 = vector.shape_cast %select_n3A_136 : vector<512xi32> to vector<512x1xi32>
    %eq3A_138 = vector.broadcast %reshape3A_137 : vector<512x1xi32> to vector<512x128xi32>
    %eq3A_139 = arith.cmpi eq, %select_n3A, %eq3A_138 : vector<512x128xi32>
    %concatenate3A_140 = tpu.concatenate %add3A_112, %add3A_112 in 1 : vector<512x64xf32>, vector<512x64xf32> -> vector<512x128xf32>
    %jit3A_141 = arith.constant 0.000000e+00 : f32
    %broadcast_in_dim3A_142 = vector.broadcast %jit3A_141 : f32 to vector<512x128xf32>
    %select_n3A_143 = arith.select %eq3A_139, %concatenate3A_140, %broadcast_in_dim3A_142 : vector<512x128xi1>, vector<512x128xf32>
    %swap3A_144 = arith.constant 1 : index
    %swap3A_145 = arith.constant 0 : index
    %swap3A_146 = arith.constant 0 : index
    %swap3A_147 = vector.load %arg5[%swap3A_144, %swap3A_145, %swap3A_146] : memref<4x512x128xf32, #tpu.memory_space<vmem>>, vector<1x512x128xf32>
    %swap3A_148 = vector.shape_cast %swap3A_147 : vector<1x512x128xf32> to vector<512x128xf32>
    %swap3A_149 = vector.shape_cast %select_n3A_143 : vector<512x128xf32> to vector<1x512x128xf32>
    tpu.vector_store %arg5[%swap3A_144, %swap3A_145, %swap3A_146], %swap3A_149 {strides = array<i32>} : memref<4x512x128xf32, #tpu.memory_space<vmem>>, vector<1x512x128xf32>,
    %mul3A_150 = vector.broadcast %mul3A_22 : vector<512x1xf32> to vector<512x64xf32>
    %mul3A_151 = arith.mulf %mul3A_150, %mul3A_47 : vector<512x64xf32>
    %tanh3A_152 = math.tanh %mul3A_151 : vector<512x64xf32>
    %dot_general3A_153 = arith.constant dense<0.000000e+00> : vector<512x64xf32>
    %dot_general3A_154 = tpu.matmul %tanh3A_152, %get3A_27, %dot_general3A_153 {dimension_numbers = #tpu.dot_dimension_numbers<[1], [0], [0], [1], [0, 0, 1, 1], [], []>, transpose_lhs_hint = false} : vector<512x64xf32>, vector<64x64xf32>, vector<512x64xf32> -> vector<512x64xf32>
    %add3A_155 = arith.addf %dot_general3A_154, %add3A_44 : vector<512x64xf32>
    %slice3A_156 = vector.extract_strided_slice %get3A_5 {offsets = [2, 0], sizes = [1, 512], strides = [1, 1]} : vector<4x512xi32> to vector<1x512xi32>
    %squeeze3A_157 = vector.shape_cast %slice3A_156 : vector<1x512xi32> to vector<512xi32>
    %jit3A_158 = arith.constant 2 : i32
    %eq3A_159 = arith.constant 0 : i32
    %eq3A_160 = arith.cmpi eq, %jit3A_158, %eq3A_159 : i32
    %jit3A_161 = arith.constant 1 : i32
    %select_n3A_162 = arith.select %eq3A_160, %jit3A_161, %jit3A_158 : i32
    %rem3A_163 = vector.broadcast %select_n3A_162 : i32 to vector<512xi32>
    %rem3A_164 = arith.remsi %squeeze3A_157, %rem3A_163 : vector<512xi32>
    %ne3A_165 = arith.constant 0 : i32
    %ne3A_166 = vector.broadcast %ne3A_165 : i32 to vector<512xi32>
    %ne3A_167 = arith.cmpi ne, %rem3A_164, %ne3A_166 : vector<512xi32>
    %lt3A_168 = arith.constant 0 : i32
    %lt3A_169 = vector.broadcast %lt3A_168 : i32 to vector<512xi32>
    %lt3A_170 = arith.cmpi slt, %rem3A_164, %lt3A_169 : vector<512xi32>
    %lt3A_171 = arith.constant 0 : i32
    %lt3A_172 = arith.cmpi slt, %select_n3A_162, %lt3A_171 : i32
    %ne3A_173 = vector.broadcast %lt3A_172 : i1 to vector<512xi1>
    %ne3A_174 = vector.broadcast %ne3A_173 : vector<512xi1> to vector<512xi1>
    %ne3A_175 = arith.xori %lt3A_170, %ne3A_174 : vector<512xi1>
    %and3A_176 = arith.andi %ne3A_175, %ne3A_167 : vector<512xi1>
    %add3A_177 = vector.broadcast %select_n3A_162 : i32 to vector<512xi32>
    %add3A_178 = arith.addi %rem3A_164, %add3A_177 : vector<512xi32>
    %select_n3A_179 = arith.select %and3A_176, %add3A_178, %rem3A_164 : vector<512xi1>, vector<512xi32>
    %reshape3A_180 = vector.shape_cast %select_n3A_179 : vector<512xi32> to vector<512x1xi32>
    %eq3A_181 = vector.broadcast %reshape3A_180 : vector<512x1xi32> to vector<512x128xi32>
    %eq3A_182 = arith.cmpi eq, %select_n3A, %eq3A_181 : vector<512x128xi32>
    %concatenate3A_183 = tpu.concatenate %add3A_155, %add3A_155 in 1 : vector<512x64xf32>, vector<512x64xf32> -> vector<512x128xf32>
    %jit3A_184 = arith.constant 0.000000e+00 : f32
    %broadcast_in_dim3A_185 = vector.broadcast %jit3A_184 : f32 to vector<512x128xf32>
    %select_n3A_186 = arith.select %eq3A_182, %concatenate3A_183, %broadcast_in_dim3A_185 : vector<512x128xi1>, vector<512x128xf32>
    %swap3A_187 = arith.constant 2 : index
    %swap3A_188 = arith.constant 0 : index
    %swap3A_189 = arith.constant 0 : index
    %swap3A_190 = vector.load %arg5[%swap3A_187, %swap3A_188, %swap3A_189] : memref<4x512x128xf32, #tpu.memory_space<vmem>>, vector<1x512x128xf32>
    %swap3A_191 = vector.shape_cast %swap3A_190 : vector<1x512x128xf32> to vector<512x128xf32>
    %swap3A_192 = vector.shape_cast %select_n3A_186 : vector<512x128xf32> to vector<1x512x128xf32>
    tpu.vector_store %arg5[%swap3A_187, %swap3A_188, %swap3A_189], %swap3A_192 {strides = array<i32>} : memref<4x512x128xf32, #tpu.memory_space<vmem>>, vector<1x512x128xf32>,
    %mul3A_193 = vector.broadcast %mul3A_22 : vector<512x1xf32> to vector<512x64xf32>
    %mul3A_194 = arith.mulf %mul3A_193, %mul3A_48 : vector<512x64xf32>
    %tanh3A_195 = math.tanh %mul3A_194 : vector<512x64xf32>
    %dot_general3A_196 = arith.constant dense<0.000000e+00> : vector<512x64xf32>
    %dot_general3A_197 = tpu.matmul %tanh3A_195, %get3A_27, %dot_general3A_196 {dimension_numbers = #tpu.dot_dimension_numbers<[1], [0], [0], [1], [0, 0, 1, 1], [], []>, transpose_lhs_hint = false} : vector<512x64xf32>, vector<64x64xf32>, vector<512x64xf32> -> vector<512x64xf32>
    %add3A_198 = arith.addf %dot_general3A_197, %add3A_44 : vector<512x64xf32>
    %slice3A_199 = vector.extract_strided_slice %get3A_5 {offsets = [3, 0], sizes = [1, 512], strides = [1, 1]} : vector<4x512xi32> to vector<1x512xi32>
    %squeeze3A_200 = vector.shape_cast %slice3A_199 : vector<1x512xi32> to vector<512xi32>
    %jit3A_201 = arith.constant 2 : i32
    %eq3A_202 = arith.constant 0 : i32
    %eq3A_203 = arith.cmpi eq, %jit3A_201, %eq3A_202 : i32
    %jit3A_204 = arith.constant 1 : i32
    %select_n3A_205 = arith.select %eq3A_203, %jit3A_204, %jit3A_201 : i32
    %rem3A_206 = vector.broadcast %select_n3A_205 : i32 to vector<512xi32>
    %rem3A_207 = arith.remsi %squeeze3A_200, %rem3A_206 : vector<512xi32>
    %ne3A_208 = arith.constant 0 : i32
    %ne3A_209 = vector.broadcast %ne3A_208 : i32 to vector<512xi32>
    %ne3A_210 = arith.cmpi ne, %rem3A_207, %ne3A_209 : vector<512xi32>
    %lt3A_211 = arith.constant 0 : i32
    %lt3A_212 = vector.broadcast %lt3A_211 : i32 to vector<512xi32>
    %lt3A_213 = arith.cmpi slt, %rem3A_207, %lt3A_212 : vector<512xi32>
    %lt3A_214 = arith.constant 0 : i32
    %lt3A_215 = arith.cmpi slt, %select_n3A_205, %lt3A_214 : i32
    %ne3A_216 = vector.broadcast %lt3A_215 : i1 to vector<512xi1>
    %ne3A_217 = vector.broadcast %ne3A_216 : vector<512xi1> to vector<512xi1>
    %ne3A_218 = arith.xori %lt3A_213, %ne3A_217 : vector<512xi1>
    %and3A_219 = arith.andi %ne3A_218, %ne3A_210 : vector<512xi1>
    %add3A_220 = vector.broadcast %select_n3A_205 : i32 to vector<512xi32>
    %add3A_221 = arith.addi %rem3A_207, %add3A_220 : vector<512xi32>
    %select_n3A_222 = arith.select %and3A_219, %add3A_221, %rem3A_207 : vector<512xi1>, vector<512xi32>
    %reshape3A_223 = vector.shape_cast %select_n3A_222 : vector<512xi32> to vector<512x1xi32>
    %eq3A_224 = vector.broadcast %reshape3A_223 : vector<512x1xi32> to vector<512x128xi32>
    %eq3A_225 = arith.cmpi eq, %select_n3A, %eq3A_224 : vector<512x128xi32>
    %concatenate3A_226 = tpu.concatenate %add3A_198, %add3A_198 in 1 : vector<512x64xf32>, vector<512x64xf32> -> vector<512x128xf32>
    %jit3A_227 = arith.constant 0.000000e+00 : f32
    %broadcast_in_dim3A_228 = vector.broadcast %jit3A_227 : f32 to vector<512x128xf32>
    %select_n3A_229 = arith.select %eq3A_225, %concatenate3A_226, %broadcast_in_dim3A_228 : vector<512x128xi1>, vector<512x128xf32>
    %swap3A_230 = arith.constant 3 : index
    %swap3A_231 = arith.constant 0 : index
    %swap3A_232 = arith.constant 0 : index
    %swap3A_233 = vector.load %arg5[%swap3A_230, %swap3A_231, %swap3A_232] : memref<4x512x128xf32, #tpu.memory_space<vmem>>, vector<1x512x128xf32>
    %swap3A_234 = vector.shape_cast %swap3A_233 : vector<1x512x128xf32> to vector<512x128xf32>
    %swap3A_235 = vector.shape_cast %select_n3A_229 : vector<512x128xf32> to vector<1x512x128xf32>
    tpu.vector_store %arg5[%swap3A_230, %swap3A_231, %swap3A_232], %swap3A_235 {strides = array<i32>} : memref<4x512x128xf32, #tpu.memory_space<vmem>>, vector<1x512x128xf32>,
    return
  }
  func.func @transform_0(%arg0: i32) -> (i32, i32, i32) {
    %c0_i32 = arith.constant 0 : i32
    %c0_i32_0 = arith.constant 0 : i32
    %c0_i32_1 = arith.constant 0 : i32
    return %c0_i32, %arg0, %c0_i32_0 : i32, i32, i32
  }
  func.func @transform_1(%arg0: i32) -> (i32, i32) {
    %c0_i32 = arith.constant 0 : i32
    %c0_i32_0 = arith.constant 0 : i32
    return %c0_i32, %arg0 : i32, i32
  }
  func.func @transform_2(%arg0: i32) -> (i32, i32) {
    %c0_i32 = arith.constant 0 : i32
    %c0_i32_0 = arith.constant 0 : i32
    %c0_i32_1 = arith.constant 0 : i32
    return %c0_i32, %c0_i32_0 : i32, i32
  }
  func.func @transform_3(%arg0: i32) -> (i32, i32) {
    %c0_i32 = arith.constant 0 : i32
    %c0_i32_0 = arith.constant 0 : i32
    %c0_i32_1 = arith.constant 0 : i32
    return %c0_i32, %c0_i32_0 : i32, i32
  }
  func.func @transform_4(%arg0: i32) -> (i32, i32, i32) {
    %c0_i32 = arith.constant 0 : i32
    %c0_i32_0 = arith.constant 0 : i32
    %c0_i32_1 = arith.constant 0 : i32
    return %c0_i32, %arg0, %c0_i32_0 : i32, i32, i32
  }
}

module attributes {stable_mosaic.version = 14 : i64} {
  func.func @_final_body(%arg0: i32, %arg1: memref<1000x64xf32, #tpu.memory_space<vmem>>, %arg2: memref<1000x1xf32, #tpu.memory_space<vmem>>, %arg3: memref<1000x1xf32, #tpu.memory_space<vmem>>, %arg4: memref<1000x64xf32, #tpu.memory_space<vmem>>) attributes {dimension_semantics = [#tpu.dimension_semantics<arbitrary>], iteration_bounds = array<i64: 50>, scalar_prefetch = 0 : i64, scratch_operands = 0 : i64, tpu.core_type = #tpu.core_type<tc>, window_params = [{transform_indices = @transform_0, window_bounds = array<i64: 1000, 64>}, {transform_indices = @transform_1, window_bounds = array<i64: 1000, 1>}, {transform_indices = @transform_2, window_bounds = array<i64: 1000, 1>}, {transform_indices = @transform_3, window_bounds = array<i64: 1000, 64>}]} {
    %get3A = arith.constant 0 : index
    %get3A_0 = arith.constant 0 : index
    %get3A_1 = vector.load %arg2[%get3A, %get3A_0] : memref<1000x1xf32, #tpu.memory_space<vmem>>, vector<1000x1xf32>
    %get3A_2 = arith.constant 0 : index
    %get3A_3 = arith.constant 0 : index
    %get3A_4 = vector.load %arg3[%get3A_2, %get3A_3] : memref<1000x1xf32, #tpu.memory_space<vmem>>, vector<1000x1xf32>
    %add3A = arith.addf %get3A_1, %get3A_4 : vector<1000x1xf32>
    %max3A = arith.constant 1.000000e+00 : f32
    %max3A_5 = vector.broadcast %max3A : f32 to vector<1000x1xf32>
    %max3A_6 = arith.maximumf %add3A, %max3A_5 : vector<1000x1xf32>
    %get3A_7 = arith.constant 0 : index
    %get3A_8 = arith.constant 0 : index
    %get3A_9 = vector.load %arg1[%get3A_7, %get3A_8] : memref<1000x64xf32, #tpu.memory_space<vmem>>, vector<1000x64xf32>
    %div3A = vector.broadcast %max3A_6 : vector<1000x1xf32> to vector<1000x64xf32>
    %div3A_10 = arith.divf %get3A_9, %div3A : vector<1000x64xf32>
    %max3A_11 = arith.constant 0.000000e+00 : f32
    %max3A_12 = vector.broadcast %max3A_11 : f32 to vector<1000x64xf32>
    %max3A_13 = arith.maximumf %div3A_10, %max3A_12 : vector<1000x64xf32>
    %swap3A = arith.constant 0 : index
    %swap3A_14 = arith.constant 0 : index
    %swap3A_15 = vector.load %arg4[%swap3A, %swap3A_14] : memref<1000x64xf32, #tpu.memory_space<vmem>>, vector<1000x64xf32>
    tpu.vector_store %arg4[%swap3A, %swap3A_14], %max3A_13 {strides = array<i32>} : memref<1000x64xf32, #tpu.memory_space<vmem>>, vector<1000x64xf32>,
    return
  }
  func.func @transform_0(%arg0: i32) -> (i32, i32) {
    %c0_i32 = arith.constant 0 : i32
    %c0_i32_0 = arith.constant 0 : i32
    return %arg0, %c0_i32 : i32, i32
  }
  func.func @transform_1(%arg0: i32) -> (i32, i32) {
    %c0_i32 = arith.constant 0 : i32
    %c0_i32_0 = arith.constant 0 : i32
    return %arg0, %c0_i32 : i32, i32
  }
  func.func @transform_2(%arg0: i32) -> (i32, i32) {
    %c0_i32 = arith.constant 0 : i32
    %c0_i32_0 = arith.constant 0 : i32
    return %arg0, %c0_i32 : i32, i32
  }
  func.func @transform_3(%arg0: i32) -> (i32, i32) {
    %c0_i32 = arith.constant 0 : i32
    %c0_i32_0 = arith.constant 0 : i32
    return %arg0, %c0_i32 : i32, i32
  }
}

</mosaic_0001>

<sc_bundles>
// kernel: kernel.11.cloned.1.call-start
scs
__scs_entry_jumppad:
0x0: {  	(pc) =	sbr.rel $0x88, $3  }
0x1: {  	(tag) =	ssettag $0x0;
	lr =	simm.s32 $0x1  }
0x2: {  	[smem:$0x3F97] =	sst lr;
	_ =	strace $0xD0000000  }
0x3: {  	_ = 	snop  }
0x4: {  	_ = 	snop  }
0x5: {  	_ = 	snop  }
0x6: {  	_ = 	snop  }
0x7: {  	_ = 	snop  }
__scs_overlays_trampoline_lowered:
0x8: {  	[smem:$0x3FA6] =	sst s0  }
0x9: {  	[smem:$0x3FA7] =	sst s1  }
0xa: {  	[smem:$0x3FA8] =	sst s2  }
0xb: {  	[smem:$0x3FA9] =	sst s3  }
0xc: {  	[smem:$0x3FAA] =	sst s4  }
0xd: {  	[smem:$0x3FAB] =	sst s5  }
0xe: {  	[smem:$0x3FAC] =	sst s6  }
0xf: {  	[smem:$0x3FAD] =	sst s7  }
0x10: {  	[smem:$0x3FAE] =	sst s8  }
0x11: {  	[smem:$0x3FAF] =	sst s9;
	s0 =	simm.s32 @!p0 $0x0  }
0x12: {  	s1 =	sld [smem:$0x3F95];
	s0 =	simm.s32 @p0 $0x1  }
0x13: {  	[smem:$0x3FB0] =	sst s0;
	s0 =	simm.s32 @!p1 $0x0  }
0x14: {  	s2 =	sld [smem:$0x3F94];
	s0 =	simm.s32 @p1 $0x1  }
0x15: {  	[smem:$0x3FB1] =	sst s0;
	s0 =	simm.s32 @!p2 $0x0  }
0x16: {  	s3 =	sld [smem:$0x3FDB];
	s0 =	simm.s32 @p2 $0x1  }
0x17: {  	s4 =	simm.s32 $0x1BF5;
	[smem:$0x3FB3] =	sst s0  }
0x18: {  	s0 =	sld [smem:$0x3F96];
	_ =	swait.ge [sflag:s4], $0x0  }
0x19: {  	s7 =	sld [smem:$0x3F97]  }
0x1a: {  	s8 =	sadd.s32 $0xFFFFE003, lr  }
0x1b: {  	s9 =	sadd.s32 $0xFFFFFEF7, lr;
	s5 =	simm.s32 $0xFFFFFFFF;
	p2 =	slt.u32 s8, $0xFFFFF086  }
0x1c: {  	p1 =	slt.u32 s9, $0xF7A;
	s5 =	simm.s32 @!p2 $0x0  }
0x1d: {  	s5 =	simm.s32 @p1 $0x1;
	p0 =	seq.s32 s7, s2  }
0x1e: {  	s7 =	smul.u32 @!p0 $0xF7A, s2;
	p2 =	seq.s32 @!p0 s5, $0x0  }
0x1f: {  	s9 =	smul.u32 $0xF7A, s1;
	s8 =	simm.s32 @!p0 $0x1BF5;
	p2 =	por !p2, p0  }
0x20: {  	[sflag:s8] =	ssyncset.s32 @!p0 $0xFFFFF086;
	s6 =	sadd.s32 @!p0 s3, s7;
	s7 =	simm.s32 @!p0 $0x108  }
0x21: {  	s3 =	sadd.s32 s3, s9;
	s6 =	sadd.s32 @!p0 $0x88, s6;
	s7 =	simm.s32 @p2 $0x1082  }
0x22: {  	[simem:s7], [sflag:s8] =	dma.local @!p0 [hbm:s6], $0xF7A  }
0x23: {  	s9 =	sor.u32 $0xD0000000, s2;
	s6 =	simm.s32 $0x108;
	_ =	swait.ge @!p0 [sflag:s8], $0x0  }
0x24: {  	s3 =	sadd.s32 $0x88, s3;
	s6 =	simm.s32 @!p1 $0x1082;
	[sflag:s4] =	ssyncset.s32 $0xFFFFF086  }
0x25: {  	[simem:s6], [sflag:s4] =	dma.local [hbm:s3], $0xF7A  }
0x26: {  	[smem:$0x3F97] =	sst s1;
	(tag) =	ssettag s2;
	_ =	strace s9  }
0x27: {  	s1 =	sld [smem:$0x3FA7]  }
0x28: {  	s2 =	sld [smem:$0x3FA8]  }
0x29: {  	s4 =	sld [smem:$0x3FAA]  }
0x2a: {  	p0 =	seq.s32 s5, $0x0;
	s5 =	sld [smem:$0x3FAB]  }
0x2b: {  	s6 =	sld [smem:$0x3FAC]  }
0x2c: {  	s7 =	sld [smem:$0x3FAD]  }
0x2d: {  	s3 =	simm.s32 $0x108;
	s8 =	sld [smem:$0x3FAE]  }
0x2e: {  	s3 =	simm.s32 @!p0 $0x1082;
	s9 =	sld [smem:$0x3FAF]  }
0x2f: {  	lr =	sadd.s32 s0, s3;
	s0 =	sld [smem:$0x3FA6]  }
0x30: {  	s3 =	sld [smem:$0x3FA9]  }
0x31: {  	[smem:$0x3FB2] =	sst s10  }
0x32: {  	s10 =	sld [smem:$0x3FB0];
	_ =	sdelay $0x3  }
0x33: {  	p0 =	seq.s32 s10, $0x1;
	s10 =	sld [smem:$0x3FB2];
	_ =	sdelay $0x3  }
0x34: {  	[smem:$0x3FB2] =	sst s10  }
0x35: {  	s10 =	sld [smem:$0x3FB1];
	_ =	sdelay $0x3  }
0x36: {  	p1 =	seq.s32 s10, $0x1;
	s10 =	sld [smem:$0x3FB2];
	_ =	sdelay $0x3  }
0x37: {  	[smem:$0x3FB2] =	sst s10  }
0x38: {  	s10 =	sld [smem:$0x3FB3]  }
0x39: {  	_ = 	snop;
	(pc) =	sbr.ind lr, $3  }
0x3a: {  	_ = 	snop  }
0x3b: {  	_ = 	snop  }
0x3c: {  	p2 =	seq.s32 s10, $0x1;
	s10 =	sld [smem:$0x3FB2]  }
0x3d: {  	_ =	shalt  }
0x3e: {  	_ =	shalt  }
0x3f: {  	_ =	shalt  }
0x40: {  	_ =	shalt  }
0x41: {  	_ =	shalt  }
0x42: {  	_ =	shalt  }
0x43: {  	_ =	shalt  }
0x44: {  	_ =	shalt  }
0x45: {  	_ =	shalt  }
0x46: {  	_ =	shalt  }
0x47: {  	_ =	shalt  }
0x48: {  	_ =	shalt  }
0x49: {  	_ =	shalt  }
0x4a: {  	_ =	shalt  }
0x4b: {  	_ =	shalt  }
0x4c: {  	_ =	shalt  }
0x4d: {  	_ =	shalt  }
0x4e: {  	_ =	shalt  }
0x4f: {  	_ =	shalt  }
0x50: {  	_ =	shalt  }
0x51: {  	_ =	shalt  }
0x52: {  	_ =	shalt  }
0x53: {  	_ =	shalt  }
0x54: {  	_ =	shalt  }
0x55: {  	_ =	shalt  }
0x56: {  	_ =	shalt  }
0x57: {  	_ =	shalt  }
0x58: {  	_ =	shalt  }
0x59: {  	_ =	shalt  }
0x5a: {  	_ =	shalt  }
0x5b: {  	_ =	shalt  }
0x5c: {  	_ =	shalt  }
0x5d: {  	_ =	shalt  }
0x5e: {  	_ =	shalt  }
0x5f: {  	_ =	shalt  }
0x60: {  	_ =	shalt  }
0x61: {  	_ =	shalt  }
0x62: {  	_ =	shalt  }
0x63: {  	_ =	shalt  }
0x64: {  	_ =	shalt  }
0x65: {  	_ =	shalt  }
0x66: {  	_ =	shalt  }
0x67: {  	_ =	shalt  }
0x68: {  	_ =	shalt  }
0x69: {  	_ =	shalt  }
0x6a: {  	_ =	shalt  }
0x6b: {  	_ =	shalt  }
0x6c: {  	_ =	shalt  }
0x6d: {  	_ =	shalt  }
0x6e: {  	_ =	shalt  }
0x6f: {  	_ =	shalt  }
0x70: {  	_ =	shalt  }
0x71: {  	_ =	shalt  }
0x72: {  	_ =	shalt  }
0x73: {  	_ =	shalt  }
0x74: {  	_ =	shalt  }
0x75: {  	_ =	shalt  }
0x76: {  	_ =	shalt  }
0x77: {  	_ =	shalt  }
0x78: {  	_ =	shalt  }
0x79: {  	_ =	shalt  }
0x7a: {  	_ =	shalt  }
0x7b: {  	_ =	shalt  }
0x7c: {  	_ =	shalt  }
0x7d: {  	_ =	shalt  }
0x7e: {  	_ =	shalt  }
0x7f: {  	_ =	shalt  }
0x80: {  	_ =	shalt  }
0x81: {  	_ =	shalt  }
0x82: {  	_ =	shalt  }
0x83: {  	_ =	shalt  }
0x84: {  	_ =	shalt  }
0x85: {  	_ =	shalt  }
0x86: {  	_ =	shalt  }
0x87: {  	_ =	shalt  }
.Lfunc_end0:
.L_simem_size_0:
called_computation.1_lowered:
.L_overlay_start_0:
0x88: {  	s2 =	sld [smem:$0x3FD9]  }
0x89: {  	s3 =	sld [smem:$0x3FFE];
	_ =	sdelay $0x1  }
0x8a: {  	s1 =	srdreg.scid  }
0x8b: {  	s0 =	sand.u32 $0x1, s1  }
0x8c: {  	s16 =	sshll.u32 s0, $0xA;
	s2 =	sadd.s32 s3, s2  }
0x8d: {  	s2 =	sadd.s32 s2, s16  }
0x8e: {  	[smem:$0x3FBE] =	sst s2  }
0x8f: {  	_ = 	snop  }
0x90: {  	(tm) =	ssettm $0x1  }
0x91: {  	s17 =	sld [smem:$0x3FFB];
	_ =	sdelay $0x3  }
0x92: {  	_ =	strace s17  }
0x93: {  	s2 =	sld [smem:$0x3FFC];
	_ =	sdelay $0x3  }
0x94: {  	_ =	strace s2  }
0x95: {  	s2 =	sld [smem:$0x3FFD];
	_ =	sdelay $0x3  }
0x96: {  	_ =	strace s2  }
0x97: {  	_ =	strace $0x8FFFFFFF  }
0x98: {  	s18 =	sld [smem:$0x3FDB];
	_ =	sdelay $0x1  }
0x99: {  	s19 =	simm.s32 $_scs_section_size  }
0x9a: {  	s4 =	simm.s32 $_size__tile_overlayer_lowered;
	s5 =	simm.s32 $_tile_overlayer_lowered  }
0x9b: {  	s22 =	simm.s32 $0x1BFF;
	s21 =	sshll.u32 s5, $0x1;
	s2 =	sadd.s32 s19, s18  }
0x9c: {  	s6 =	simm.s32 $0x0;
	s20 =	sshll.u32 s4, $0x1;
	s4 =	sadd.s32 s21, s2  }
0x9d: {  	[timem:s6], [sflag:s22] =	dma.local [hbm:s4], s20  }
0x9e: {  	_ =	swait.ge [sflag:s22], s20  }
0x9f: {  	s3 =	ssub.s32 $0x0, s20;
	[sflag:s22] =	ssyncset.done $0x0  }
0xa0: {  	[sflag:s22] =	ssyncadd.s32 s3;
	_ =	sdelay $0x1  }
0xa1: {  	s23 =	simm.s32 $0x1B8B  }
0xa2: {  	_ =	swait.ge [sflag:s23], $0x1  }
0xa3: {  	[sflag:s23] =	ssyncset.done $0x0  }
0xa4: {  	s25 =	simm.s32 $0x1B8E;
	s24 =	sld [smem:$0x3FFE];
	[sflag:s23] =	ssyncadd.s32 $0xFFFFFFFF  }
0xa5: {  	s26 =	simm.s32 $execute0_lowered;
	[smem:$0x3FD2] =	sst s25  }
0xa6: {  	s4 =	sshll.u32 s26, $0x1;
	_ =	strace $0x80000049;
	[dreg:$0x1] =	wrdreg $0xFFFFFFFF  }
0xa7: {  	s28 =	simm.s32 $_size_execute0_lowered;
	s2 =	sadd.s32 s2, s4;
	[dreg:$0x0] =	wrdreg $0x0  }
0xa8: {  	s4 =	sshll.u32 s28, $0x1;
	[dreg:$0x2] =	wrdreg s2  }
0xa9: {  	[dreg:$0x3] =	wrdreg s4  }
0xaa: {  	[dreg:$0x4] =	wrdreg $0xC0  }
0xab: {  	_ =	task [dreg:s6], $0x5FFFF  }
0xac: {  	[dreg:$0x1] =	wrdreg $0xFFFFFFFF  }
0xad: {  	[dreg:$0x0] =	wrdreg $0x60  }
0xae: {  	[dreg:$0x2] =	wrdreg s24  }
0xaf: {  	[dreg:$0x3] =	wrdreg $0x9  }
0xb0: {  	_ =	task.clear_ibuf [dreg:s6], $0x4FFFF;
	_ =	strace $0x90000049  }
0xb1: {  	s29 =	simm.s32 $0x9;
	_ =	strace $0x8000004B  }
0xb2: {  	_ =	swait.ge [sflag:s29], $0x1  }
0xb3: {  	[sflag:s29] =	ssyncadd.s32 $0xFFFFFFFF  }
0xb4: {  	_ =	strace $0x9000004B  }
0xb5: {  	_ =	sfence  }
0xb6: {  	s30 =	sld [smem:$0x0];
	_ =	sdelay $0x2  }
0xb7: {  	s31 =	sshll.u32 s1, $0xD;
	s1 =	sshrl.u32 s1, $0x2  }
0xb8: {  	s3 =	sand.u32 $0x4000, s31;
	s1 =	sadd.s32 s1, s30  }
0xb9: {  	s0 =	sor.u32 s3, s0;
	s1 =	sshll.u32 s1, $0x11  }
0xba: {  	s0 =	sor.u32 s1, s0  }
0xbb: {  	s0 =	sadd.s32 $0x8F2B, s0  }
0xbc: {  	[sflag:s0] =	ssyncadd.remote.s32 $0x1  }
0xbd: {  	_ =	sfence.sel $0xFFFF  }
0xbe: {  	[dreg:$0x0] =	wrdreg $0xFFFFFFFF;
	(pc) =	sbr.abs _section_cstart, $3  }
0xbf: {  	[dreg:$0x1] =	wrdreg $0xFFFFFFFF  }
0xc0: {  	_ =	task.clear_ibuf [dreg:s6], $0x2FFFF;
	_ =	strace $0x9FFFFFFF  }
0xc1: {  	(tm) =	ssettm $0x7FFFFFFF  }
tec
execute0_lowered:
.L_overlay_start_1:
0x0: {  	(tag) =	ssettag $0x1  }
0x1: {  	s3 =	rddreg [dreg:$0x0]  }
0x2: {  	s0 =	rddreg [dreg:$0x1];
	s1 =	stileid.u32  }
0x3: {  	s4 =	srdreg.scid;
	s5 =	smul.u32 $0x6400, s1  }
0x4: {  	s2 =	simm.s32 $0x0;
	s4 =	sand.u32 $0x1, s4;
	s7 =	smul.u32 $0x64000, s1  }
0x5: {  	s10 =	simm.s32 $0x1;
	s11 =	simm.s32 $0x0;
	s6 =	smul.u32 $0x3200, s4  }
0x6: {  	[smem:$0x7FF] =	sst s2;
	s29 =	ssub.s32 $0x2, s4;
	s4 =	smul.u32 $0x32000, s4  }
0x7: {  	_ =	strace $0x8000004A;
	s7 =	sadd.s32 s7, s3;
	s8 =	sshrl.u32 s29, $0x1  }
0x8: {  	s5 =	sadd.s32 s6, s5;
	s30 =	ssub.s32 s29, s8;
	s31 =	sadd.s32 s4, s7  }
0x9: {  	s7 =	simm.s32 $0x2;
	s8 =	simm.s32 $0x320;
	s5 =	sshrl.u32 s5, $0x3  }
0xa: {  	s4 =	smax.u32 s30, $0x1;
	s9 =	sadd.s32 s5, s3;
	s3 =	sadd.s32 $0x260600, s3  }
0xb: {  	s5 =	sadd.s32 $0x324600, s31;
	s6 =	sadd.s32 $0x2800, s9;
	s9 =	simm.s32 $0x380  }
.LBB2_1:
0xc: {  	s12 =	sadd.s32 $0x0, s6  }
0xd: {  	[tilespmem:s2], [sflag:$0x2] =	stream.linear.gather [hbm4b:s12+s2], $0x320, $0x38;
	[tilespmem:$0x19380] =	vst v63  }
0xe: {  	_ =	swait.ge [sflag:s7], $0x320  }
0xf: {  	[sflag:s7] =	ssyncset.done $0x0  }
0x10: {  	[sflag:s7] =	ssyncadd.s32 $0xFFFFFCE0  }
0x11: {  	[tilespmem:s9], [sflag:$0x1] =	stream.indirect.gather [hbm4b:s3+s8], $0x80, s2, s8, $0xb8;
	[tilespmem:$0x19380] =	vst v63  }
0x12: {  	_ =	swait.ge [sflag:s10], $0x19000  }
0x13: {  	[sflag:s10] =	ssyncset.done $0x0  }
0x14: {  	[sflag:s10] =	ssyncadd.s32 $0xFFFE7000  }
0x15: {  	[hbm4b:s5+s2] =	stream.linear.scatter [tilespmem:s9], [sflag:$0x2], $0x19000, $0x38;
	[tilespmem:$0x19380] =	vst v63  }
0x16: {  	s13 =	simm.s32 $0x64;
	_ =	swait.ge [sflag:s7], $0x19000  }
0x17: {  	s14 =	simm.s32 $0xC8;
	s12 =	sadd.s32 $0x3200, s5;
	[sflag:s7] =	ssyncset.done $0x0  }
.LBB2_2:
0x18: {  	s15 =	sadd.s32 s13, s6  }
0x19: {  	[sflag:s7] =	ssyncadd.s32 $0xFFFE7000;
	s13 =	smov.u32 s14;
	s16 =	sadd.s32 $0x64, s14  }
0x1a: {  	[tilespmem:s2], [sflag:$0x2] =	stream.linear.gather [hbm4b:s15+s2], $0x320, $0x38;
	[tilespmem:$0x19380] =	vst v63  }
0x1b: {  	p0 =	sne.s32 s14, $0x5DC;
	_ =	swait.ge [sflag:s7], $0x320  }
0x1c: {  	[sflag:s7] =	ssyncset.done $0x0  }
0x1d: {  	[sflag:s7] =	ssyncadd.s32 $0xFFFFFCE0  }
0x1e: {  	[tilespmem:s9], [sflag:$0x1] =	stream.indirect.gather [hbm4b:s3+s8], $0x80, s2, s8, $0xb8;
	[tilespmem:$0x19380] =	vst v63  }
0x1f: {  	_ =	swait.ge [sflag:s10], $0x19000  }
.Ltmp0:
0x20: {  	[sflag:s10] =	ssyncset.done $0x0;
	(pc) =	sbr.rel @p0 .LBB2_2-.Ltmp0, $4  }
0x21: {  	[sflag:s10] =	ssyncadd.s32 $0xFFFE7000  }
0x22: {  	[hbm4b:s12+s2] =	stream.linear.scatter [tilespmem:s9], [sflag:$0x2], $0x19000, $0x38;
	[tilespmem:$0x19380] =	vst v63  }
0x23: {  	_ =	swait.ge [sflag:s7], $0x19000  }
0x24: {  	s14 =	smov.u32 s16;
	s12 =	sadd.s32 $0x3200, s12;
	[sflag:s7] =	ssyncset.done $0x0  }
0x25: {  	s13 =	sadd.s32 s13, s6;
	[sflag:s7] =	ssyncadd.s32 $0xFFFE7000  }
0x26: {  	[tilespmem:s2], [sflag:$0x2] =	stream.linear.gather [hbm4b:s13+s2], $0x320, $0x38;
	[tilespmem:$0x19380] =	vst v63  }
0x27: {  	_ =	swait.ge [sflag:s7], $0x320  }
0x28: {  	[sflag:s7] =	ssyncset.done $0x0  }
0x29: {  	[sflag:s7] =	ssyncadd.s32 $0xFFFFFCE0  }
0x2a: {  	[tilespmem:s9], [sflag:$0x1] =	stream.indirect.gather [hbm4b:s3+s8], $0x80, s2, s8, $0xb8;
	[tilespmem:$0x19380] =	vst v63  }
0x2b: {  	s11 =	sadd.s32 $0x1, s11;
	_ =	swait.ge [sflag:s10], $0x19000  }
0x2c: {  	p0 =	sne.s32 s11, s4;
	[sflag:s10] =	ssyncset.done $0x0  }
.Ltmp1:
0x2d: {  	[sflag:s10] =	ssyncadd.s32 $0xFFFE7000;
	(pc) =	sbr.rel @p0 .LBB2_1-.Ltmp1, $4  }
0x2e: {  	[hbm4b:s12+s2] =	stream.linear.scatter [tilespmem:s9], [sflag:$0x2], $0x19000, $0x38;
	[tilespmem:$0x19380] =	vst v63  }
0x2f: {  	_ =	swait.ge [sflag:s7], $0x19000  }
0x30: {  	[sflag:s7] =	ssyncset.done $0x0  }
0x31: {  	[sflag:s7] =	ssyncadd.s32 $0xFFFE7000  }
0x32: {  	_ =	sfence.sel $0x180000  }
0x33: {  	[bflag:$0x0] =	sbarrier.arrive $0xFFFF  }
0x34: {  	p0 =	sne.s32 s1, $0x0;
	_ =	strace $0x9000004A  }
0x35: {  	s0 =	sadd.s32 @!p0 $0x100000, s0;
	[bflag:$0x2] =	sbarrier.arrive $0xFFFF  }
0x36: {  	[sflag:s0] =	ssyncadd.tile.s32 @!p0 $0x1;
	_ =	shalt  }
.Lfunc_end2:
_tile_overlayer_lowered:
.L_overlay_start_2:
0x37: {  	(tag) =	ssettag $0x2  }
0x38: {  	s0 =	rddreg [dreg:$0x0];
	s2 =	stileid.u32  }
0x39: {  	s1 =	rddreg [dreg:$0x1];
	p0 =	sne.s32 s2, $0x0  }
0x3a: {  	s3 =	rddreg [dreg:$0x2];
	[bflag:$0x3] =	sbarrier.arrive $0xFFFF;
	s2 =	simm.s32 @!p0 $0x1C02  }
0x3b: {  	[timem:s3], [sflag:s2] =	dma.local @!p0 [hbm:s0], s1  }
0x3c: {  	s0 =	simm.s32 @!p0 $0x2  }
0x3d: {  	_ =	swait.ge @!p0 [sflag:s0], s1  }
0x3e: {  	s1 =	ssub.s32 @!p0 $0x0, s1;
	[sflag:s0] =	ssyncset.done @!p0 $0x0  }
0x3f: {  	[sflag:s0] =	ssyncadd.s32 @!p0 s1  }
0x40: {  	[bflag:$0x3] =	sbarrier.arrive $0xFFFF  }
0x41: {  	_ =	shalt  }

// kernel: kernel.14.cloned.1.call-start
scs
__scs_entry_jumppad:
0x0: {  	(pc) =	sbr.rel $0x88, $3  }
0x1: {  	(tag) =	ssettag $0x0;
	lr =	simm.s32 $0x1  }
0x2: {  	[smem:$0x3F97] =	sst lr;
	_ =	strace $0xD0000000  }
0x3: {  	_ = 	snop  }
0x4: {  	_ = 	snop  }
0x5: {  	_ = 	snop  }
0x6: {  	_ = 	snop  }
0x7: {  	_ = 	snop  }
__scs_overlays_trampoline_lowered:
0x8: {  	[smem:$0x3FA6] =	sst s0  }
0x9: {  	[smem:$0x3FA7] =	sst s1  }
0xa: {  	[smem:$0x3FA8] =	sst s2  }
0xb: {  	[smem:$0x3FA9] =	sst s3  }
0xc: {  	[smem:$0x3FAA] =	sst s4  }
0xd: {  	[smem:$0x3FAB] =	sst s5  }
0xe: {  	[smem:$0x3FAC] =	sst s6  }
0xf: {  	[smem:$0x3FAD] =	sst s7  }
0x10: {  	[smem:$0x3FAE] =	sst s8  }
0x11: {  	[smem:$0x3FAF] =	sst s9;
	s0 =	simm.s32 @!p0 $0x0  }
0x12: {  	s1 =	sld [smem:$0x3F95];
	s0 =	simm.s32 @p0 $0x1  }
0x13: {  	[smem:$0x3FB0] =	sst s0;
	s0 =	simm.s32 @!p1 $0x0  }
0x14: {  	s2 =	sld [smem:$0x3F94];
	s0 =	simm.s32 @p1 $0x1  }
0x15: {  	[smem:$0x3FB1] =	sst s0;
	s0 =	simm.s32 @!p2 $0x0  }
0x16: {  	s3 =	sld [smem:$0x3FDB];
	s0 =	simm.s32 @p2 $0x1  }
0x17: {  	s4 =	simm.s32 $0x1BF5;
	[smem:$0x3FB3] =	sst s0  }
0x18: {  	s0 =	sld [smem:$0x3F96];
	_ =	swait.ge [sflag:s4], $0x0  }
0x19: {  	s7 =	sld [smem:$0x3F97]  }
0x1a: {  	s8 =	sadd.s32 $0xFFFFE003, lr  }
0x1b: {  	s9 =	sadd.s32 $0xFFFFFEF7, lr;
	s5 =	simm.s32 $0xFFFFFFFF;
	p2 =	slt.u32 s8, $0xFFFFF086  }
0x1c: {  	p1 =	slt.u32 s9, $0xF7A;
	s5 =	simm.s32 @!p2 $0x0  }
0x1d: {  	s5 =	simm.s32 @p1 $0x1;
	p0 =	seq.s32 s7, s2  }
0x1e: {  	s7 =	smul.u32 @!p0 $0xF7A, s2;
	p2 =	seq.s32 @!p0 s5, $0x0  }
0x1f: {  	s9 =	smul.u32 $0xF7A, s1;
	s8 =	simm.s32 @!p0 $0x1BF5;
	p2 =	por !p2, p0  }
0x20: {  	[sflag:s8] =	ssyncset.s32 @!p0 $0xFFFFF086;
	s6 =	sadd.s32 @!p0 s3, s7;
	s7 =	simm.s32 @!p0 $0x108  }
0x21: {  	s3 =	sadd.s32 s3, s9;
	s6 =	sadd.s32 @!p0 $0x88, s6;
	s7 =	simm.s32 @p2 $0x1082  }
0x22: {  	[simem:s7], [sflag:s8] =	dma.local @!p0 [hbm:s6], $0xF7A  }
0x23: {  	s9 =	sor.u32 $0xD0000000, s2;
	s6 =	simm.s32 $0x108;
	_ =	swait.ge @!p0 [sflag:s8], $0x0  }
0x24: {  	s3 =	sadd.s32 $0x88, s3;
	s6 =	simm.s32 @!p1 $0x1082;
	[sflag:s4] =	ssyncset.s32 $0xFFFFF086  }
0x25: {  	[simem:s6], [sflag:s4] =	dma.local [hbm:s3], $0xF7A  }
0x26: {  	[smem:$0x3F97] =	sst s1;
	(tag) =	ssettag s2;
	_ =	strace s9  }
0x27: {  	s1 =	sld [smem:$0x3FA7]  }
0x28: {  	s2 =	sld [smem:$0x3FA8]  }
0x29: {  	s4 =	sld [smem:$0x3FAA]  }
0x2a: {  	p0 =	seq.s32 s5, $0x0;
	s5 =	sld [smem:$0x3FAB]  }
0x2b: {  	s6 =	sld [smem:$0x3FAC]  }
0x2c: {  	s7 =	sld [smem:$0x3FAD]  }
0x2d: {  	s3 =	simm.s32 $0x108;
	s8 =	sld [smem:$0x3FAE]  }
0x2e: {  	s3 =	simm.s32 @!p0 $0x1082;
	s9 =	sld [smem:$0x3FAF]  }
0x2f: {  	lr =	sadd.s32 s0, s3;
	s0 =	sld [smem:$0x3FA6]  }
0x30: {  	s3 =	sld [smem:$0x3FA9]  }
0x31: {  	[smem:$0x3FB2] =	sst s10  }
0x32: {  	s10 =	sld [smem:$0x3FB0];
	_ =	sdelay $0x3  }
0x33: {  	p0 =	seq.s32 s10, $0x1;
	s10 =	sld [smem:$0x3FB2];
	_ =	sdelay $0x3  }
0x34: {  	[smem:$0x3FB2] =	sst s10  }
0x35: {  	s10 =	sld [smem:$0x3FB1];
	_ =	sdelay $0x3  }
0x36: {  	p1 =	seq.s32 s10, $0x1;
	s10 =	sld [smem:$0x3FB2];
	_ =	sdelay $0x3  }
0x37: {  	[smem:$0x3FB2] =	sst s10  }
0x38: {  	s10 =	sld [smem:$0x3FB3]  }
0x39: {  	_ = 	snop;
	(pc) =	sbr.ind lr, $3  }
0x3a: {  	_ = 	snop  }
0x3b: {  	_ = 	snop  }
0x3c: {  	p2 =	seq.s32 s10, $0x1;
	s10 =	sld [smem:$0x3FB2]  }
0x3d: {  	_ =	shalt  }
0x3e: {  	_ =	shalt  }
0x3f: {  	_ =	shalt  }
0x40: {  	_ =	shalt  }
0x41: {  	_ =	shalt  }
0x42: {  	_ =	shalt  }
0x43: {  	_ =	shalt  }
0x44: {  	_ =	shalt  }
0x45: {  	_ =	shalt  }
0x46: {  	_ =	shalt  }
0x47: {  	_ =	shalt  }
0x48: {  	_ =	shalt  }
0x49: {  	_ =	shalt  }
0x4a: {  	_ =	shalt  }
0x4b: {  	_ =	shalt  }
0x4c: {  	_ =	shalt  }
0x4d: {  	_ =	shalt  }
0x4e: {  	_ =	shalt  }
0x4f: {  	_ =	shalt  }
0x50: {  	_ =	shalt  }
0x51: {  	_ =	shalt  }
0x52: {  	_ =	shalt  }
0x53: {  	_ =	shalt  }
0x54: {  	_ =	shalt  }
0x55: {  	_ =	shalt  }
0x56: {  	_ =	shalt  }
0x57: {  	_ =	shalt  }
0x58: {  	_ =	shalt  }
0x59: {  	_ =	shalt  }
0x5a: {  	_ =	shalt  }
0x5b: {  	_ =	shalt  }
0x5c: {  	_ =	shalt  }
0x5d: {  	_ =	shalt  }
0x5e: {  	_ =	shalt  }
0x5f: {  	_ =	shalt  }
0x60: {  	_ =	shalt  }
0x61: {  	_ =	shalt  }
0x62: {  	_ =	shalt  }
0x63: {  	_ =	shalt  }
0x64: {  	_ =	shalt  }
0x65: {  	_ =	shalt  }
0x66: {  	_ =	shalt  }
0x67: {  	_ =	shalt  }
0x68: {  	_ =	shalt  }
0x69: {  	_ =	shalt  }
0x6a: {  	_ =	shalt  }
0x6b: {  	_ =	shalt  }
0x6c: {  	_ =	shalt  }
0x6d: {  	_ =	shalt  }
0x6e: {  	_ =	shalt  }
0x6f: {  	_ =	shalt  }
0x70: {  	_ =	shalt  }
0x71: {  	_ =	shalt  }
0x72: {  	_ =	shalt  }
0x73: {  	_ =	shalt  }
0x74: {  	_ =	shalt  }
0x75: {  	_ =	shalt  }
0x76: {  	_ =	shalt  }
0x77: {  	_ =	shalt  }
0x78: {  	_ =	shalt  }
0x79: {  	_ =	shalt  }
0x7a: {  	_ =	shalt  }
0x7b: {  	_ =	shalt  }
0x7c: {  	_ =	shalt  }
0x7d: {  	_ =	shalt  }
0x7e: {  	_ =	shalt  }
0x7f: {  	_ =	shalt  }
0x80: {  	_ =	shalt  }
0x81: {  	_ =	shalt  }
0x82: {  	_ =	shalt  }
0x83: {  	_ =	shalt  }
0x84: {  	_ =	shalt  }
0x85: {  	_ =	shalt  }
0x86: {  	_ =	shalt  }
0x87: {  	_ =	shalt  }
.Lfunc_end0:
.L_simem_size_0:
called_computation.2_lowered:
.L_overlay_start_0:
0x88: {  	s2 =	sld [smem:$0x3FD9]  }
0x89: {  	s3 =	sld [smem:$0x3FFE];
	_ =	sdelay $0x1  }
0x8a: {  	s1 =	srdreg.scid  }
0x8b: {  	s0 =	sand.u32 $0x1, s1  }
0x8c: {  	s17 =	sshll.u32 s0, $0xA;
	s2 =	sadd.s32 s3, s2  }
0x8d: {  	s2 =	sadd.s32 s2, s17  }
0x8e: {  	[smem:$0x3FBE] =	sst s2  }
0x8f: {  	_ = 	snop  }
0x90: {  	s2 =	sld [smem:$0x3FD0];
	(tm) =	ssettm $0x1  }
0x91: {  	s18 =	sld [smem:$0x3FFB];
	_ =	sdelay $0x3  }
0x92: {  	_ =	strace s18  }
0x93: {  	s3 =	sld [smem:$0x3FFC];
	_ =	sdelay $0x3  }
0x94: {  	_ =	strace s3  }
0x95: {  	s3 =	sld [smem:$0x3FFD];
	_ =	sdelay $0x3  }
0x96: {  	_ =	strace s3  }
0x97: {  	_ =	strace $0x8FFFFFFF  }
0x98: {  	s19 =	sld [smem:$0x3FDB];
	_ =	sdelay $0x1  }
0x99: {  	s4 =	simm.s32 $_scs_section_size  }
0x9a: {  	s5 =	simm.s32 $_size__tile_overlayer_lowered;
	s6 =	simm.s32 $_tile_overlayer_lowered  }
0x9b: {  	s22 =	simm.s32 $0x1BFF;
	s21 =	sshll.u32 s6, $0x1;
	s3 =	sadd.s32 s4, s19  }
0x9c: {  	s7 =	simm.s32 $0x0;
	s20 =	sshll.u32 s5, $0x1;
	s5 =	sadd.s32 s21, s3  }
0x9d: {  	[timem:s7], [sflag:s22] =	dma.local [hbm:s5], s20  }
0x9e: {  	_ =	swait.ge [sflag:s22], s20  }
0x9f: {  	s4 =	ssub.s32 $0x0, s20;
	[sflag:s22] =	ssyncset.done $0x0  }
0xa0: {  	[sflag:s22] =	ssyncadd.s32 s4;
	_ =	sdelay $0x1  }
0xa1: {  	s23 =	simm.s32 $0x1B8B  }
0xa2: {  	_ =	swait.ge [sflag:s23], $0x1  }
0xa3: {  	[sflag:s23] =	ssyncset.done $0x0  }
0xa4: {  	s25 =	simm.s32 $0x1B8E;
	s24 =	sld [smem:$0x3FFE];
	[sflag:s23] =	ssyncadd.s32 $0xFFFFFFFF  }
0xa5: {  	s26 =	simm.s32 $execute0_lowered;
	[smem:$0x3FD2] =	sst s25  }
0xa6: {  	s5 =	sshll.u32 s26, $0x1;
	_ =	strace $0x8000004C;
	[dreg:$0x1] =	wrdreg $0xFFFFFFFF  }
0xa7: {  	s28 =	simm.s32 $_size_execute0_lowered;
	s3 =	sadd.s32 s3, s5;
	[dreg:$0x0] =	wrdreg $0x0  }
0xa8: {  	s5 =	sshll.u32 s28, $0x1;
	[dreg:$0x2] =	wrdreg s3  }
0xa9: {  	[dreg:$0x3] =	wrdreg s5  }
0xaa: {  	[dreg:$0x4] =	wrdreg $0xC0  }
0xab: {  	_ =	task [dreg:s7], $0x5FFFF  }
0xac: {  	[dreg:$0x1] =	wrdreg $0xFFFFFFFF  }
0xad: {  	[dreg:$0x0] =	wrdreg $0x60  }
0xae: {  	[dreg:$0x2] =	wrdreg s24  }
0xaf: {  	[dreg:$0x3] =	wrdreg s2  }
0xb0: {  	[dreg:$0x4] =	wrdreg $0x6D000  }
0xb1: {  	[dreg:$0x5] =	wrdreg $0x9  }
0xb2: {  	_ =	task.clear_ibuf [dreg:s7], $0x6FFFF;
	_ =	strace $0x9000004C  }
0xb3: {  	s29 =	simm.s32 $0x9;
	_ =	strace $0x8000004E  }
0xb4: {  	_ =	swait.ge [sflag:s29], $0x1  }
0xb5: {  	[sflag:s29] =	ssyncadd.s32 $0xFFFFFFFF  }
0xb6: {  	_ =	strace $0x9000004E  }
0xb7: {  	_ =	sfence  }
0xb8: {  	s30 =	sld [smem:$0x0];
	_ =	sdelay $0x2  }
0xb9: {  	s31 =	sshll.u32 s1, $0xD;
	s1 =	sshrl.u32 s1, $0x2  }
0xba: {  	s3 =	sand.u32 $0x4000, s31;
	s1 =	sadd.s32 s1, s30  }
0xbb: {  	s0 =	sor.u32 s3, s0;
	s1 =	sshll.u32 s1, $0x11  }
0xbc: {  	s0 =	sor.u32 s1, s0  }
0xbd: {  	s0 =	sadd.s32 $0x8F2B, s0  }
0xbe: {  	[sflag:s0] =	ssyncadd.remote.s32 $0x1  }
0xbf: {  	_ =	sfence.sel $0xFFFF  }
0xc0: {  	[dreg:$0x0] =	wrdreg $0xFFFFFFFF;
	(pc) =	sbr.abs _section_cstart, $3  }
0xc1: {  	[dreg:$0x1] =	wrdreg $0xFFFFFFFF  }
0xc2: {  	_ =	task.clear_ibuf [dreg:s7], $0x2FFFF;
	_ =	strace $0x9FFFFFFF  }
0xc3: {  	(tm) =	ssettm $0x7FFFFFFF  }
tec
execute0_lowered:
.L_overlay_start_1:
0x0: {  	(tag) =	ssettag $0x1  }
0x1: {  	s5 =	rddreg [dreg:$0x0]  }
0x2: {  	s20 =	rddreg [dreg:$0x1]  }
0x3: {  	s2 =	rddreg [dreg:$0x2];
	s0 =	stileid.u32;
	s3 =	simm.s32 $0x0  }
0x4: {  	s6 =	srdreg.scid;
	s22 =	simm.s32 $0x1;
	s4 =	smul.u32 $0x320, s0  }
0x5: {  	s24 =	simm.s32 $0xA0;
	s25 =	simm.s32 $0x0;
	s7 =	smul.u32 $0x19000, s0  }
0x6: {  	[smem:$0x7FF] =	sst s3;
	s23 =	sand.u32 $0x1, s6;
	s21 =	smul.u32 $0x3100, s0  }
0x7: {  	s9 =	smul.u32 $0x62000, s0;
	_ =	strace $0x8000004D;
	s6 =	ssub.s32 $0x2, s23  }
0x8: {  	p0 =	sne.s32 s23, $0x0;
	s23 =	simm.s32 $0x100;
	s19 =	sadd.s32 s4, s5  }
0x9: {  	s8 =	sshrl.u32 s6, $0x1;
	s13 =	sadd.s32 s7, s5;
	s4 =	sadd.s32 $0x2800, s5  }
0xa: {  	s15 =	sadd.s32 s21, s5;
	s31 =	sshrl.u32 s9, $0x2;
	s20 =	sadd.s32 s21, s20  }
0xb: {  	s21 =	simm.s32 $0x5100;
	s6 =	ssub.s32 s6, s8;
	s7 =	sadd.s32 $0x710600, s13  }
.Ltmp0:
0xc: {  	s8 =	sadd.s32 $0x580600, s13;
	s9 =	sadd.s32 $0xF000, s19;
	(pc) =	sbr.rel .LBB2_1-.Ltmp0, $4  }
0xd: {  	s10 =	sadd.s32 $0x12200, s19;
	s11 =	sadd.s32 $0x3F0600, s13;
	s12 =	sadd.s32 $0x15400, s19  }
0xe: {  	s13 =	sadd.s32 $0x260600, s13;
	s14 =	sadd.s32 $0x18600, s19;
	s15 =	sadd.s32 $0x28000, s15  }
0xf: {  	s16 =	sadd.s32 $0x1B800, s19;
	s17 =	sadd.s32 $0x1EA00, s19;
	s18 =	sadd.s32 $0x21C00, s19  }
0x10: {  	s19 =	sadd.s32 $0x24E00, s19;
	s5 =	smax.u32 s6, $0x1;
	s6 =	sadd.s32 s31, s2  }
.LBB2_35:
0x11: {  	[sflag:s22] =	ssyncadd.s32 $0xFFFFE400  }
.LBB2_36:
0x12: {  	s25 =	sadd.s32 $0x1, s25  }
0x13: {  	p1 =	sne.s32 s25, s5  }
.Ltmp1:
0x14: {  	_ = 	snop;
	(pc) =	sbr.rel @!p1 .LBB2_37-.Ltmp1, $1  }
0x15: {  	_ =	sdelay $0x3  }
.LBB2_1:
0x16: {  	[tilespmem:s21], [sflag:$0x1] =	stream.linear.gather [hbm4b:s4+s3], $0x1C00, $0x38;
	[tilespmem:$0x1F500] =	vst v63  }
0x17: {  	_ =	swait.ge [sflag:s22], $0x1C00  }
0x18: {  	[sflag:s22] =	ssyncset.done $0x0  }
0x19: {  	s26 =	sadd.s32 $0x0, s6;
	[sflag:s22] =	ssyncadd.s32 $0xFFFFE400  }
0x1a: {  	[spmem:s26] =	stream.linear.scatter [tilespmem:s21], [sflag:$0x1], $0x1C00, $0x38;
	[tilespmem:$0x1F500] =	vst v63  }
0x1b: {  	_ =	swait.ge [sflag:s22], $0x1C00  }
0x1c: {  	s26 =	simm.s32 $0x7000;
	[sflag:s22] =	ssyncset.done $0x0  }
.LBB2_2:
0x1d: {  	p1 =	sne.s32 s26, $0x5B000  }
0x1e: {  	[sflag:s22] =	ssyncadd.s32 $0xFFFFE400;
	s28 =	smov.u32 s26;
	s26 =	sadd.s32 $0x7000, s26  }
0x1f: {  	[tilespmem:s21], [sflag:$0x1] =	stream.linear.gather [hbm4b:s4+s3], $0x1C00, $0x38;
	[tilespmem:$0x1F500] =	vst v63  }
0x20: {  	_ =	swait.ge [sflag:s22], $0x1C00  }
.Ltmp2:
0x21: {  	s28 =	sshra.s32 s28, $0x2;
	[sflag:s22] =	ssyncset.done $0x0;
	(pc) =	sbr.rel @p1 .LBB2_2-.Ltmp2, $4  }
0x22: {  	s28 =	sadd.s32 s28, s6;
	[sflag:s22] =	ssyncadd.s32 $0xFFFFE400  }
0x23: {  	[spmem:s28] =	stream.linear.scatter [tilespmem:s21], [sflag:$0x1], $0x1C00, $0x38;
	[tilespmem:$0x1F500] =	vst v63  }
0x24: {  	_ =	swait.ge [sflag:s22], $0x1C00  }
0x25: {  	[sflag:s22] =	ssyncset.done $0x0  }
.Ltmp3:
0x26: {  	(pc) =	sbr.rel @p0 .LBB2_20-.Ltmp3, $4  }
0x27: {  	_ = 	snop  }
0x28: {  	[sflag:s22] =	ssyncadd.s32 $0xFFFFE400  }
0x29: {  	[bflag:$0x0] =	sbarrier.arrive $0xFFFF  }
0x2a: {  	s26 =	simm.s32 $0x0  }
0x2b: {  	s28 =	sadd.s32 $0x0, s16  }
0x2c: {  	[tilespmem:s26], [sflag:$0x1] =	stream.linear.gather [hbm4b:s28+s26], $0xA0, $0x38;
	[tilespmem:$0x1F500] =	vst v63  }
0x2d: {  	_ =	swait.ge [sflag:s22], $0xA0  }
0x2e: {  	[sflag:s22] =	ssyncset.done $0x0  }
0x2f: {  	[sflag:s22] =	ssyncadd.s32 $0xFFFFFF60  }
0x30: {  	[tilespmem:s23], [sflag:$0x1] =	stream.linear.gather [hbm4b:s7+s26], $0x5000, $0x38;
	[tilespmem:$0x1F500] =	vst v63  }
0x31: {  	_ =	swait.ge [sflag:s22], $0x5000  }
0x32: {  	[sflag:s22] =	ssyncset.done $0x0  }
0x33: {  	[sflag:s22] =	ssyncadd.s32 $0xFFFFB000  }
0x34: {  	[spmem:s2] =	stream.indirect.scatter.add.f32 [tilespmem:s23], [sflag:$0x1], $0x80, s26, s24, $0xb8;
	[tilespmem:$0x1F500] =	vst v63  }
0x35: {  	s29 =	simm.s32 $0x14;
	_ =	swait.ge [sflag:s22], $0x5000  }
0x36: {  	s30 =	simm.s32 $0x28;
	s28 =	sadd.s32 $0xA00, s7;
	[sflag:s22] =	ssyncset.done $0x0  }
.LBB2_5:
0x37: {  	s31 =	sadd.s32 s29, s16  }
0x38: {  	[sflag:s22] =	ssyncadd.s32 $0xFFFFB000;
	s29 =	smov.u32 s30;
	s0 =	sadd.s32 $0x14, s30  }
0x39: {  	[tilespmem:s26], [sflag:$0x1] =	stream.linear.gather [hbm4b:s31+s26], $0xA0, $0x38;
	[tilespmem:$0x1F500] =	vst v63  }
0x3a: {  	p1 =	sne.s32 s30, $0x30C;
	_ =	swait.ge [sflag:s22], $0xA0  }
0x3b: {  	[sflag:s22] =	ssyncset.done $0x0  }
0x3c: {  	[sflag:s22] =	ssyncadd.s32 $0xFFFFFF60  }
0x3d: {  	[tilespmem:s23], [sflag:$0x1] =	stream.linear.gather [hbm4b:s28+s26], $0x5000, $0x38;
	[tilespmem:$0x1F500] =	vst v63  }
0x3e: {  	_ =	swait.ge [sflag:s22], $0x5000  }
.Ltmp4:
0x3f: {  	[sflag:s22] =	ssyncset.done $0x0;
	(pc) =	sbr.rel @p1 .LBB2_5-.Ltmp4, $4  }
0x40: {  	[sflag:s22] =	ssyncadd.s32 $0xFFFFB000  }
0x41: {  	[spmem:s2] =	stream.indirect.scatter.add.f32 [tilespmem:s23], [sflag:$0x1], $0x80, s26, s24, $0xb8;
	[tilespmem:$0x1F500] =	vst v63  }
0x42: {  	_ =	swait.ge [sflag:s22], $0x5000  }
0x43: {  	s30 =	smov.u32 s0;
	s28 =	sadd.s32 $0xA00, s28;
	[sflag:s22] =	ssyncset.done $0x0  }
0x44: {  	s0 =	sadd.s32 s29, s16;
	[sflag:s22] =	ssyncadd.s32 $0xFFFFB000  }
0x45: {  	[tilespmem:s26], [sflag:$0x1] =	stream.linear.gather [hbm4b:s0+s26], $0xA0, $0x38;
	[tilespmem:$0x1F500] =	vst v63  }
0x46: {  	_ =	swait.ge [sflag:s22], $0xA0  }
0x47: {  	[sflag:s22] =	ssyncset.done $0x0  }
0x48: {  	[sflag:s22] =	ssyncadd.s32 $0xFFFFFF60  }
0x49: {  	[tilespmem:s23], [sflag:$0x1] =	stream.linear.gather [hbm4b:s28+s26], $0x5000, $0x38;
	[tilespmem:$0x1F500] =	vst v63  }
0x4a: {  	_ =	swait.ge [sflag:s22], $0x5000  }
0x4b: {  	[sflag:s22] =	ssyncset.done $0x0  }
0x4c: {  	[sflag:s22] =	ssyncadd.s32 $0xFFFFB000  }
0x4d: {  	[spmem:s2] =	stream.indirect.scatter.add.f32 [tilespmem:s23], [sflag:$0x1], $0x80, s26, s24, $0xb8;
	[tilespmem:$0x1F500] =	vst v63  }
0x4e: {  	_ =	swait.ge [sflag:s22], $0x5000  }
0x4f: {  	[sflag:s22] =	ssyncset.done $0x0  }
0x50: {  	s31 =	sadd.s32 $0x0, s17;
	s26 =	simm.s32 $0x0;
	[sflag:s22] =	ssyncadd.s32 $0xFFFFB000  }
0x51: {  	[tilespmem:s26], [sflag:$0x1] =	stream.linear.gather [hbm4b:s31+s26], $0xA0, $0x38;
	[tilespmem:$0x1F500] =	vst v63  }
0x52: {  	_ =	swait.ge [sflag:s22], $0xA0  }
0x53: {  	[sflag:s22] =	ssyncset.done $0x0  }
0x54: {  	[sflag:s22] =	ssyncadd.s32 $0xFFFFFF60  }
0x55: {  	[tilespmem:s23], [sflag:$0x1] =	stream.linear.gather [hbm4b:s8+s26], $0x5000, $0x38;
	[tilespmem:$0x1F500] =	vst v63  }
0x56: {  	_ =	swait.ge [sflag:s22], $0x5000  }
0x57: {  	[sflag:s22] =	ssyncset.done $0x0  }
0x58: {  	[sflag:s22] =	ssyncadd.s32 $0xFFFFB000  }
0x59: {  	[spmem:s2] =	stream.indirect.scatter.add.f32 [tilespmem:s23], [sflag:$0x1], $0x80, s26, s24, $0xb8;
	[tilespmem:$0x1F500] =	vst v63  }
0x5a: {  	s30 =	sadd.s32 $0x14, s17;
	_ =	swait.ge [sflag:s22], $0x5000  }
0x5b: {  	s29 =	sadd.s32 $0xA00, s8;
	s28 =	simm.s32 $0x28;
	[sflag:s22] =	ssyncset.done $0x0  }
.LBB2_7:
0x5c: {  	s0 =	sadd.s32 s28, s17;
	[sflag:s22] =	ssyncadd.s32 $0xFFFFB000  }
0x5d: {  	[tilespmem:s26], [sflag:$0x1] =	stream.linear.gather [hbm4b:s30+s26], $0xA0, $0x38;
	[tilespmem:$0x1F500] =	vst v63  }
0x5e: {  	p1 =	sne.s32 s28, $0x30C;
	s28 =	sadd.s32 $0x14, s28;
	_ =	swait.ge [sflag:s22], $0xA0  }
0x5f: {  	s30 =	smov.u32 s0;
	[sflag:s22] =	ssyncset.done $0x0  }
0x60: {  	[sflag:s22] =	ssyncadd.s32 $0xFFFFFF60  }
0x61: {  	[tilespmem:s23], [sflag:$0x1] =	stream.linear.gather [hbm4b:s29+s26], $0x5000, $0x38;
	[tilespmem:$0x1F500] =	vst v63  }
0x62: {  	_ =	swait.ge [sflag:s22], $0x5000  }
.Ltmp5:
0x63: {  	[sflag:s22] =	ssyncset.done $0x0;
	(pc) =	sbr.rel @p1 .LBB2_7-.Ltmp5, $4  }
0x64: {  	[sflag:s22] =	ssyncadd.s32 $0xFFFFB000  }
0x65: {  	[spmem:s2] =	stream.indirect.scatter.add.f32 [tilespmem:s23], [sflag:$0x1], $0x80, s26, s24, $0xb8;
	[tilespmem:$0x1F500] =	vst v63  }
0x66: {  	_ =	swait.ge [sflag:s22], $0x5000  }
0x67: {  	s29 =	sadd.s32 $0xA00, s29;
	[sflag:s22] =	ssyncset.done $0x0  }
0x68: {  	s28 =	simm.s32 $0x0;
	[sflag:s22] =	ssyncadd.s32 $0xFFFFB000  }
0x69: {  	[tilespmem:s28], [sflag:$0x1] =	stream.linear.gather [hbm4b:s30+s28], $0xA0, $0x38;
	[tilespmem:$0x1F500] =	vst v63  }
0x6a: {  	_ =	swait.ge [sflag:s22], $0xA0  }
0x6b: {  	[sflag:s22] =	ssyncset.done $0x0  }
0x6c: {  	[sflag:s22] =	ssyncadd.s32 $0xFFFFFF60  }
0x6d: {  	[tilespmem:s23], [sflag:$0x1] =	stream.linear.gather [hbm4b:s29+s28], $0x5000, $0x38;
	[tilespmem:$0x1F500] =	vst v63  }
0x6e: {  	_ =	swait.ge [sflag:s22], $0x5000  }
0x6f: {  	p3 =	por $0x1, $0x1;
	[sflag:s22] =	ssyncset.done $0x0  }
.Ltmp6:
0x70: {  	[sflag:s22] =	ssyncadd.s32 $0xFFFFB000;
	(pc) =	sbr.rel @!p3 .LBB2_12-.Ltmp6, $4  }
0x71: {  	[spmem:s2] =	stream.indirect.scatter.add.f32 [tilespmem:s23], [sflag:$0x1], $0x80, s28, s24, $0xb8;
	[tilespmem:$0x1F500] =	vst v63  }
0x72: {  	s26 =	simm.s32 $0x14;
	_ =	swait.ge [sflag:s22], $0x5000  }
0x73: {  	p1 =	por $0x0, $0x0;
	p2 =	por $0x0, $0x0;
	[sflag:s22] =	ssyncset.done $0x0  }
0x74: {  	s30 =	simm.s32 $0x0;
	s29 =	smov.u32 s11;
	[sflag:s22] =	ssyncadd.s32 $0xFFFFB000  }
0x75: {  	s0 =	sadd.s32 $0x0, s18  }
0x76: {  	[tilespmem:s28], [sflag:$0x1] =	stream.linear.gather [hbm4b:s0+s28], $0xA0, $0x38;
	[tilespmem:$0x1F500] =	vst v63  }
0x77: {  	_ =	swait.ge [sflag:s22], $0xA0  }
0x78: {  	[sflag:s22] =	ssyncset.done $0x0  }
0x79: {  	[sflag:s22] =	ssyncadd.s32 $0xFFFFFF60  }
0x7a: {  	[tilespmem:s23], [sflag:$0x1] =	stream.linear.gather [hbm4b:s11+s28], $0x5000, $0x38;
	[tilespmem:$0x1F500] =	vst v63  }
0x7b: {  	p3 =	por $0x1, $0x1;
	_ =	swait.ge [sflag:s22], $0x5000  }
.Ltmp7:
0x7c: {  	[sflag:s22] =	ssyncset.done $0x0;
	(pc) =	sbr.rel @!p3 .LBB2_10-.Ltmp7, $4  }
0x7d: {  	[sflag:s22] =	ssyncadd.s32 $0xFFFFB000  }
0x7e: {  	[spmem:s2] =	stream.indirect.scatter.add.f32 [tilespmem:s23], [sflag:$0x1], $0x80, s28, s24, $0xb8;
	[tilespmem:$0x1F500] =	vst v63  }
0x7f: {  	s31 =	simm.s32 $0x28;
	s29 =	sadd.s32 $0xA00, s11;
	_ =	swait.ge [sflag:s22], $0x5000  }
0x80: {  	p2 =	por $0x1, $0x1;
	s30 =	simm.s32 $0x14;
	[sflag:s22] =	ssyncset.done $0x0  }
.LBB2_11:
0x81: {  	s0 =	sadd.s32 s30, s18  }
0x82: {  	[sflag:s22] =	ssyncadd.s32 $0xFFFFB000;
	s30 =	smov.u32 s31;
	s1 =	sadd.s32 $0x14, s31  }
0x83: {  	[tilespmem:s28], [sflag:$0x1] =	stream.linear.gather [hbm4b:s0+s28], $0xA0, $0x38;
	[tilespmem:$0x1F500] =	vst v63  }
0x84: {  	p3 =	sne.s32 s31, $0x30C;
	_ =	swait.ge [sflag:s22], $0xA0  }
0x85: {  	[sflag:s22] =	ssyncset.done $0x0  }
0x86: {  	[sflag:s22] =	ssyncadd.s32 $0xFFFFFF60  }
0x87: {  	[tilespmem:s23], [sflag:$0x1] =	stream.linear.gather [hbm4b:s29+s28], $0x5000, $0x38;
	[tilespmem:$0x1F500] =	vst v63  }
0x88: {  	_ =	swait.ge [sflag:s22], $0x5000  }
.Ltmp8:
0x89: {  	[sflag:s22] =	ssyncset.done $0x0;
	(pc) =	sbr.rel @p3 .LBB2_11-.Ltmp8, $4  }
0x8a: {  	[sflag:s22] =	ssyncadd.s32 $0xFFFFB000  }
0x8b: {  	[spmem:s2] =	stream.indirect.scatter.add.f32 [tilespmem:s23], [sflag:$0x1], $0x80, s28, s24, $0xb8;
	[tilespmem:$0x1F500] =	vst v63  }
0x8c: {  	_ =	swait.ge [sflag:s22], $0x5000  }
0x8d: {  	s31 =	smov.u32 s1;
	s29 =	sadd.s32 $0xA00, s29;
	[sflag:s22] =	ssyncset.done $0x0  }
.LBB2_12:
0x8e: {  	s0 =	sadd.s32 s30, s18;
	[sflag:s22] =	ssyncadd.s32 @p2 $0xFFFFB000  }
0x8f: {  	[tilespmem:s28], [sflag:$0x1] =	stream.linear.gather [hbm4b:s0+s28], $0xA0, $0x38;
	[tilespmem:$0x1F500] =	vst v63  }
0x90: {  	_ =	swait.ge [sflag:s22], $0xA0  }
0x91: {  	[sflag:s22] =	ssyncset.done $0x0  }
0x92: {  	[sflag:s22] =	ssyncadd.s32 $0xFFFFFF60  }
0x93: {  	[tilespmem:s23], [sflag:$0x1] =	stream.linear.gather [hbm4b:s29+s28], $0x5000, $0x38;
	[tilespmem:$0x1F500] =	vst v63  }
0x94: {  	_ =	swait.ge [sflag:s22], $0x5000  }
0x95: {  	p2 =	por $0x0, $0x0;
	[sflag:s22] =	ssyncset.done $0x0  }
.Ltmp9:
0x96: {  	[sflag:s22] =	ssyncadd.s32 $0xFFFFB000;
	(pc) =	sbr.rel @p2 .LBB2_17-.Ltmp9, $4  }
0x97: {  	[spmem:s2] =	stream.indirect.scatter.add.f32 [tilespmem:s23], [sflag:$0x1], $0x80, s28, s24, $0xb8;
	[tilespmem:$0x1F500] =	vst v63  }
0x98: {  	_ =	swait.ge [sflag:s22], $0x5000  }
0x99: {  	[sflag:s22] =	ssyncset.done $0x0  }
0x9a: {  	s29 =	smov.u32 s13;
	[sflag:s22] =	ssyncadd.s32 $0xFFFFB000  }
0x9b: {  	s0 =	sadd.s32 $0x0, s19  }
0x9c: {  	[tilespmem:s3], [sflag:$0x1] =	stream.linear.gather [hbm4b:s0+s3], $0xA0, $0x38;
	[tilespmem:$0x1F500] =	vst v63  }
0x9d: {  	_ =	swait.ge [sflag:s22], $0xA0  }
0x9e: {  	[sflag:s22] =	ssyncset.done $0x0  }
0x9f: {  	[sflag:s22] =	ssyncadd.s32 $0xFFFFFF60  }
0xa0: {  	[tilespmem:s23], [sflag:$0x1] =	stream.linear.gather [hbm4b:s13+s3], $0x5000, $0x38;
	[tilespmem:$0x1F500] =	vst v63  }
0xa1: {  	p2 =	por $0x0, $0x0;
	_ =	swait.ge [sflag:s22], $0x5000  }
.Ltmp10:
0xa2: {  	[sflag:s22] =	ssyncset.done $0x0;
	(pc) =	sbr.rel @p2 .LBB2_14-.Ltmp10, $4  }
0xa3: {  	[sflag:s22] =	ssyncadd.s32 $0xFFFFB000  }
0xa4: {  	[spmem:s2] =	stream.indirect.scatter.add.f32 [tilespmem:s23], [sflag:$0x1], $0x80, s3, s24, $0xb8;
	[tilespmem:$0x1F500] =	vst v63  }
0xa5: {  	s28 =	simm.s32 $0x28;
	_ =	swait.ge [sflag:s22], $0x5000  }
0xa6: {  	s29 =	sadd.s32 $0xA00, s13;
	p1 =	por $0x1, $0x1;
	[sflag:s22] =	ssyncset.done $0x0  }
.LBB2_15:
0xa7: {  	s0 =	sadd.s32 s26, s19  }
0xa8: {  	[sflag:s22] =	ssyncadd.s32 $0xFFFFB000;
	s26 =	smov.u32 s28;
	s1 =	sadd.s32 $0x14, s28  }
0xa9: {  	[tilespmem:s3], [sflag:$0x1] =	stream.linear.gather [hbm4b:s0+s3], $0xA0, $0x38;
	[tilespmem:$0x1F500] =	vst v63  }
0xaa: {  	p2 =	seq.s32 s28, $0x30C;
	_ =	swait.ge [sflag:s22], $0xA0  }
0xab: {  	[sflag:s22] =	ssyncset.done $0x0  }
0xac: {  	[sflag:s22] =	ssyncadd.s32 $0xFFFFFF60  }
0xad: {  	[tilespmem:s23], [sflag:$0x1] =	stream.linear.gather [hbm4b:s29+s3], $0x5000, $0x38;
	[tilespmem:$0x1F500] =	vst v63  }
0xae: {  	_ =	swait.ge [sflag:s22], $0x5000  }
.Ltmp11:
0xaf: {  	[sflag:s22] =	ssyncset.done $0x0;
	(pc) =	sbr.rel @!p2 .LBB2_15-.Ltmp11, $4  }
0xb0: {  	[sflag:s22] =	ssyncadd.s32 $0xFFFFB000  }
0xb1: {  	[spmem:s2] =	stream.indirect.scatter.add.f32 [tilespmem:s23], [sflag:$0x1], $0x80, s3, s24, $0xb8;
	[tilespmem:$0x1F500] =	vst v63  }
0xb2: {  	_ =	swait.ge [sflag:s22], $0x5000  }
0xb3: {  	s28 =	smov.u32 s1;
	s29 =	sadd.s32 $0xA00, s29;
	[sflag:s22] =	ssyncset.done $0x0  }
0xb4: {  	s28 =	smov.u32 s26  }
.LBB2_17:
0xb5: {  	s0 =	sadd.s32 s28, s19;
	[sflag:s22] =	ssyncadd.s32 @p1 $0xFFFFB000  }
0xb6: {  	[tilespmem:s3], [sflag:$0x1] =	stream.linear.gather [hbm4b:s0+s3], $0xA0, $0x38;
	[tilespmem:$0x1F500] =	vst v63  }
0xb7: {  	_ =	swait.ge [sflag:s22], $0xA0  }
0xb8: {  	[sflag:s22] =	ssyncset.done $0x0  }
0xb9: {  	[sflag:s22] =	ssyncadd.s32 $0xFFFFFF60  }
0xba: {  	[tilespmem:s23], [sflag:$0x1] =	stream.linear.gather [hbm4b:s29+s3], $0x5000, $0x38;
	[tilespmem:$0x1F500] =	vst v63  }
0xbb: {  	_ =	swait.ge [sflag:s22], $0x5000  }
0xbc: {  	[sflag:s22] =	ssyncset.done $0x0  }
0xbd: {  	[sflag:s22] =	ssyncadd.s32 $0xFFFFB000  }
0xbe: {  	[spmem:s2] =	stream.indirect.scatter.add.f32 [tilespmem:s23], [sflag:$0x1], $0x80, s3, s24, $0xb8;
	[tilespmem:$0x1F500] =	vst v63  }
0xbf: {  	_ =	swait.ge [sflag:s22], $0x5000  }
0xc0: {  	[sflag:s22] =	ssyncset.done $0x0  }
0xc1: {  	[sflag:s22] =	ssyncadd.s32 $0xFFFFB000  }
0xc2: {  	[bflag:$0x0] =	sbarrier.arrive $0xFFFF  }
0xc3: {  	[tilespmem:s21], [sflag:$0x1] =	stream.linear.gather [spmem:s6], $0x1C00, $0x38;
	[tilespmem:$0x1F500] =	vst v63  }
0xc4: {  	_ =	swait.ge [sflag:s22], $0x1C00  }
0xc5: {  	[sflag:s22] =	ssyncset.done $0x0  }
0xc6: {  	s31 =	sadd.s32 $0x0, s20;
	[sflag:s22] =	ssyncadd.s32 $0xFFFFE400  }
0xc7: {  	[hbm4b:s31+s3] =	stream.linear.scatter [tilespmem:s21], [sflag:$0x1], $0x1C00, $0x38;
	[tilespmem:$0x1F500] =	vst v63  }
0xc8: {  	_ =	swait.ge [sflag:s22], $0x1C00  }
0xc9: {  	s26 =	simm.s32 $0x380;
	s28 =	smov.u32 s6;
	[sflag:s22] =	ssyncset.done $0x0  }
.LBB2_18:
0xca: {  	p1 =	seq.s32 s26, $0x2D80;
	[sflag:s22] =	ssyncadd.s32 $0xFFFFE400;
	s28 =	sadd.s32 $0x1C00, s28  }
0xcb: {  	[tilespmem:s21], [sflag:$0x1] =	stream.linear.gather [spmem:s28], $0x1C00, $0x38;
	[tilespmem:$0x1F500] =	vst v63  }
0xcc: {  	s0 =	smov.u32 s26;
	s26 =	sadd.s32 $0x380, s26;
	_ =	swait.ge [sflag:s22], $0x1C00  }
.Ltmp12:
0xcd: {  	[sflag:s22] =	ssyncset.done $0x0;
	(pc) =	sbr.rel @!p1 .LBB2_18-.Ltmp12, $4  }
0xce: {  	s0 =	sadd.s32 s0, s20;
	[sflag:s22] =	ssyncadd.s32 $0xFFFFE400  }
0xcf: {  	[hbm4b:s0+s3] =	stream.linear.scatter [tilespmem:s21], [sflag:$0x1], $0x1C00, $0x38;
	[tilespmem:$0x1F500] =	vst v63  }
0xd0: {  	_ =	swait.ge [sflag:s22], $0x1C00  }
0xd1: {  	[sflag:s22] =	ssyncset.done $0x0  }
.Ltmp13:
0xd2: {  	(pc) =	sbr.rel .LBB2_36-.Ltmp13, $2  }
0xd3: {  	_ =	sdelay $0x2  }
0xd4: {  	[sflag:s22] =	ssyncadd.s32 $0xFFFFE400  }
.LBB2_20:
0xd5: {  	s0 =	sadd.s32 $0x0, s9  }
0xd6: {  	[tilespmem:s26], [sflag:$0x1] =	stream.linear.gather [hbm4b:s0+s26], $0xA0, $0x38;
	[tilespmem:$0x1F500] =	vst v63  }
0xd7: {  	_ =	swait.ge [sflag:s22], $0xA0  }
0xd8: {  	[sflag:s22] =	ssyncset.done $0x0  }
0xd9: {  	[sflag:s22] =	ssyncadd.s32 $0xFFFFFF60  }
0xda: {  	[tilespmem:s23], [sflag:$0x1] =	stream.linear.gather [hbm4b:s7+s26], $0x5000, $0x38;
	[tilespmem:$0x1F500] =	vst v63  }
0xdb: {  	_ =	swait.ge [sflag:s22], $0x5000  }
0xdc: {  	[sflag:s22] =	ssyncset.done $0x0  }
0xdd: {  	[sflag:s22] =	ssyncadd.s32 $0xFFFFB000  }
0xde: {  	[spmem:s2] =	stream.indirect.scatter.add.f32 [tilespmem:s23], [sflag:$0x1], $0x80, s26, s24, $0xb8;
	[tilespmem:$0x1F500] =	vst v63  }
0xdf: {  	s29 =	simm.s32 $0x14;
	_ =	swait.ge [sflag:s22], $0x5000  }
0xe0: {  	s30 =	simm.s32 $0x28;
	s28 =	sadd.s32 $0xA00, s7;
	[sflag:s22] =	ssyncset.done $0x0  }
.LBB2_21:
0xe1: {  	s0 =	sadd.s32 s29, s9  }
0xe2: {  	[sflag:s22] =	ssyncadd.s32 $0xFFFFB000;
	s29 =	smov.u32 s30;
	s1 =	sadd.s32 $0x14, s30  }
0xe3: {  	[tilespmem:s26], [sflag:$0x1] =	stream.linear.gather [hbm4b:s0+s26], $0xA0, $0x38;
	[tilespmem:$0x1F500] =	vst v63  }
0xe4: {  	p1 =	sne.s32 s30, $0x30C;
	_ =	swait.ge [sflag:s22], $0xA0  }
0xe5: {  	[sflag:s22] =	ssyncset.done $0x0  }
0xe6: {  	[sflag:s22] =	ssyncadd.s32 $0xFFFFFF60  }
0xe7: {  	[tilespmem:s23], [sflag:$0x1] =	stream.linear.gather [hbm4b:s28+s26], $0x5000, $0x38;
	[tilespmem:$0x1F500] =	vst v63  }
0xe8: {  	_ =	swait.ge [sflag:s22], $0x5000  }
.Ltmp14:
0xe9: {  	[sflag:s22] =	ssyncset.done $0x0;
	(pc) =	sbr.rel @p1 .LBB2_21-.Ltmp14, $4  }
0xea: {  	[sflag:s22] =	ssyncadd.s32 $0xFFFFB000  }
0xeb: {  	[spmem:s2] =	stream.indirect.scatter.add.f32 [tilespmem:s23], [sflag:$0x1], $0x80, s26, s24, $0xb8;
	[tilespmem:$0x1F500] =	vst v63  }
0xec: {  	_ =	swait.ge [sflag:s22], $0x5000  }
0xed: {  	s30 =	smov.u32 s1;
	s28 =	sadd.s32 $0xA00, s28;
	[sflag:s22] =	ssyncset.done $0x0  }
0xee: {  	s0 =	sadd.s32 s29, s9;
	[sflag:s22] =	ssyncadd.s32 $0xFFFFB000  }
0xef: {  	[tilespmem:s26], [sflag:$0x1] =	stream.linear.gather [hbm4b:s0+s26], $0xA0, $0x38;
	[tilespmem:$0x1F500] =	vst v63  }
0xf0: {  	_ =	swait.ge [sflag:s22], $0xA0  }
0xf1: {  	[sflag:s22] =	ssyncset.done $0x0  }
0xf2: {  	[sflag:s22] =	ssyncadd.s32 $0xFFFFFF60  }
0xf3: {  	[tilespmem:s23], [sflag:$0x1] =	stream.linear.gather [hbm4b:s28+s26], $0x5000, $0x38;
	[tilespmem:$0x1F500] =	vst v63  }
0xf4: {  	_ =	swait.ge [sflag:s22], $0x5000  }
0xf5: {  	[sflag:s22] =	ssyncset.done $0x0  }
0xf6: {  	[sflag:s22] =	ssyncadd.s32 $0xFFFFB000  }
0xf7: {  	[spmem:s2] =	stream.indirect.scatter.add.f32 [tilespmem:s23], [sflag:$0x1], $0x80, s26, s24, $0xb8;
	[tilespmem:$0x1F500] =	vst v63  }
0xf8: {  	_ =	swait.ge [sflag:s22], $0x5000  }
0xf9: {  	[sflag:s22] =	ssyncset.done $0x0  }
0xfa: {  	s31 =	sadd.s32 $0x0, s10;
	s26 =	simm.s32 $0x0;
	[sflag:s22] =	ssyncadd.s32 $0xFFFFB000  }
0xfb: {  	[tilespmem:s26], [sflag:$0x1] =	stream.linear.gather [hbm4b:s31+s26], $0xA0, $0x38;
	[tilespmem:$0x1F500] =	vst v63  }
0xfc: {  	_ =	swait.ge [sflag:s22], $0xA0  }
0xfd: {  	[sflag:s22] =	ssyncset.done $0x0  }
0xfe: {  	[sflag:s22] =	ssyncadd.s32 $0xFFFFFF60  }
0xff: {  	[tilespmem:s23], [sflag:$0x1] =	stream.linear.gather [hbm4b:s8+s26], $0x5000, $0x38;
	[tilespmem:$0x1F500] =	vst v63  }
0x100: {  	_ =	swait.ge [sflag:s22], $0x5000  }
0x101: {  	[sflag:s22] =	ssyncset.done $0x0  }
0x102: {  	[sflag:s22] =	ssyncadd.s32 $0xFFFFB000  }
0x103: {  	[spmem:s2] =	stream.indirect.scatter.add.f32 [tilespmem:s23], [sflag:$0x1], $0x80, s26, s24, $0xb8;
	[tilespmem:$0x1F500] =	vst v63  }
0x104: {  	s30 =	sadd.s32 $0x14, s10;
	_ =	swait.ge [sflag:s22], $0x5000  }
0x105: {  	s29 =	sadd.s32 $0xA00, s8;
	s28 =	simm.s32 $0x28;
	[sflag:s22] =	ssyncset.done $0x0  }
.LBB2_23:
0x106: {  	s0 =	sadd.s32 s28, s10;
	[sflag:s22] =	ssyncadd.s32 $0xFFFFB000  }
0x107: {  	[tilespmem:s26], [sflag:$0x1] =	stream.linear.gather [hbm4b:s30+s26], $0xA0, $0x38;
	[tilespmem:$0x1F500] =	vst v63  }
0x108: {  	p1 =	sne.s32 s28, $0x30C;
	s28 =	sadd.s32 $0x14, s28;
	_ =	swait.ge [sflag:s22], $0xA0  }
0x109: {  	s30 =	smov.u32 s0;
	[sflag:s22] =	ssyncset.done $0x0  }
0x10a: {  	[sflag:s22] =	ssyncadd.s32 $0xFFFFFF60  }
0x10b: {  	[tilespmem:s23], [sflag:$0x1] =	stream.linear.gather [hbm4b:s29+s26], $0x5000, $0x38;
	[tilespmem:$0x1F500] =	vst v63  }
0x10c: {  	_ =	swait.ge [sflag:s22], $0x5000  }
.Ltmp15:
0x10d: {  	[sflag:s22] =	ssyncset.done $0x0;
	(pc) =	sbr.rel @p1 .LBB2_23-.Ltmp15, $4  }
0x10e: {  	[sflag:s22] =	ssyncadd.s32 $0xFFFFB000  }
0x10f: {  	[spmem:s2] =	stream.indirect.scatter.add.f32 [tilespmem:s23], [sflag:$0x1], $0x80, s26, s24, $0xb8;
	[tilespmem:$0x1F500] =	vst v63  }
0x110: {  	_ =	swait.ge [sflag:s22], $0x5000  }
0x111: {  	s29 =	sadd.s32 $0xA00, s29;
	[sflag:s22] =	ssyncset.done $0x0  }
0x112: {  	s28 =	simm.s32 $0x0;
	[sflag:s22] =	ssyncadd.s32 $0xFFFFB000  }
0x113: {  	[tilespmem:s28], [sflag:$0x1] =	stream.linear.gather [hbm4b:s30+s28], $0xA0, $0x38;
	[tilespmem:$0x1F500] =	vst v63  }
0x114: {  	_ =	swait.ge [sflag:s22], $0xA0  }
0x115: {  	[sflag:s22] =	ssyncset.done $0x0  }
0x116: {  	[sflag:s22] =	ssyncadd.s32 $0xFFFFFF60  }
0x117: {  	[tilespmem:s23], [sflag:$0x1] =	stream.linear.gather [hbm4b:s29+s28], $0x5000, $0x38;
	[tilespmem:$0x1F500] =	vst v63  }
0x118: {  	_ =	swait.ge [sflag:s22], $0x5000  }
0x119: {  	p3 =	por $0x1, $0x1;
	[sflag:s22] =	ssyncset.done $0x0  }
.Ltmp16:
0x11a: {  	[sflag:s22] =	ssyncadd.s32 $0xFFFFB000;
	(pc) =	sbr.rel @!p3 .LBB2_28-.Ltmp16, $4  }
0x11b: {  	[spmem:s2] =	stream.indirect.scatter.add.f32 [tilespmem:s23], [sflag:$0x1], $0x80, s28, s24, $0xb8;
	[tilespmem:$0x1F500] =	vst v63  }
0x11c: {  	s26 =	simm.s32 $0x14;
	_ =	swait.ge [sflag:s22], $0x5000  }
0x11d: {  	p1 =	por $0x0, $0x0;
	p2 =	por $0x0, $0x0;
	[sflag:s22] =	ssyncset.done $0x0  }
0x11e: {  	s30 =	simm.s32 $0x0;
	s29 =	smov.u32 s11;
	[sflag:s22] =	ssyncadd.s32 $0xFFFFB000  }
0x11f: {  	s0 =	sadd.s32 $0x0, s12  }
0x120: {  	[tilespmem:s28], [sflag:$0x1] =	stream.linear.gather [hbm4b:s0+s28], $0xA0, $0x38;
	[tilespmem:$0x1F500] =	vst v63  }
0x121: {  	_ =	swait.ge [sflag:s22], $0xA0  }
0x122: {  	[sflag:s22] =	ssyncset.done $0x0  }
0x123: {  	[sflag:s22] =	ssyncadd.s32 $0xFFFFFF60  }
0x124: {  	[tilespmem:s23], [sflag:$0x1] =	stream.linear.gather [hbm4b:s11+s28], $0x5000, $0x38;
	[tilespmem:$0x1F500] =	vst v63  }
0x125: {  	p3 =	por $0x1, $0x1;
	_ =	swait.ge [sflag:s22], $0x5000  }
.Ltmp17:
0x126: {  	[sflag:s22] =	ssyncset.done $0x0;
	(pc) =	sbr.rel @!p3 .LBB2_26-.Ltmp17, $4  }
0x127: {  	[sflag:s22] =	ssyncadd.s32 $0xFFFFB000  }
0x128: {  	[spmem:s2] =	stream.indirect.scatter.add.f32 [tilespmem:s23], [sflag:$0x1], $0x80, s28, s24, $0xb8;
	[tilespmem:$0x1F500] =	vst v63  }
0x129: {  	s31 =	simm.s32 $0x28;
	s29 =	sadd.s32 $0xA00, s11;
	_ =	swait.ge [sflag:s22], $0x5000  }
0x12a: {  	p2 =	por $0x1, $0x1;
	s30 =	simm.s32 $0x14;
	[sflag:s22] =	ssyncset.done $0x0  }
.LBB2_27:
0x12b: {  	s0 =	sadd.s32 s30, s12  }
0x12c: {  	[sflag:s22] =	ssyncadd.s32 $0xFFFFB000;
	s30 =	smov.u32 s31;
	s1 =	sadd.s32 $0x14, s31  }
0x12d: {  	[tilespmem:s28], [sflag:$0x1] =	stream.linear.gather [hbm4b:s0+s28], $0xA0, $0x38;
	[tilespmem:$0x1F500] =	vst v63  }
0x12e: {  	p3 =	sne.s32 s31, $0x30C;
	_ =	swait.ge [sflag:s22], $0xA0  }
0x12f: {  	[sflag:s22] =	ssyncset.done $0x0  }
0x130: {  	[sflag:s22] =	ssyncadd.s32 $0xFFFFFF60  }
0x131: {  	[tilespmem:s23], [sflag:$0x1] =	stream.linear.gather [hbm4b:s29+s28], $0x5000, $0x38;
	[tilespmem:$0x1F500] =	vst v63  }
0x132: {  	_ =	swait.ge [sflag:s22], $0x5000  }
.Ltmp18:
0x133: {  	[sflag:s22] =	ssyncset.done $0x0;
	(pc) =	sbr.rel @p3 .LBB2_27-.Ltmp18, $4  }
0x134: {  	[sflag:s22] =	ssyncadd.s32 $0xFFFFB000  }
0x135: {  	[spmem:s2] =	stream.indirect.scatter.add.f32 [tilespmem:s23], [sflag:$0x1], $0x80, s28, s24, $0xb8;
	[tilespmem:$0x1F500] =	vst v63  }
0x136: {  	_ =	swait.ge [sflag:s22], $0x5000  }
0x137: {  	s31 =	smov.u32 s1;
	s29 =	sadd.s32 $0xA00, s29;
	[sflag:s22] =	ssyncset.done $0x0  }
.LBB2_28:
0x138: {  	s0 =	sadd.s32 s30, s12;
	[sflag:s22] =	ssyncadd.s32 @p2 $0xFFFFB000  }
0x139: {  	[tilespmem:s28], [sflag:$0x1] =	stream.linear.gather [hbm4b:s0+s28], $0xA0, $0x38;
	[tilespmem:$0x1F500] =	vst v63  }
0x13a: {  	_ =	swait.ge [sflag:s22], $0xA0  }
0x13b: {  	[sflag:s22] =	ssyncset.done $0x0  }
0x13c: {  	[sflag:s22] =	ssyncadd.s32 $0xFFFFFF60  }
0x13d: {  	[tilespmem:s23], [sflag:$0x1] =	stream.linear.gather [hbm4b:s29+s28], $0x5000, $0x38;
	[tilespmem:$0x1F500] =	vst v63  }
0x13e: {  	_ =	swait.ge [sflag:s22], $0x5000  }
0x13f: {  	p2 =	por $0x0, $0x0;
	[sflag:s22] =	ssyncset.done $0x0  }
.Ltmp19:
0x140: {  	[sflag:s22] =	ssyncadd.s32 $0xFFFFB000;
	(pc) =	sbr.rel @p2 .LBB2_33-.Ltmp19, $4  }
0x141: {  	[spmem:s2] =	stream.indirect.scatter.add.f32 [tilespmem:s23], [sflag:$0x1], $0x80, s28, s24, $0xb8;
	[tilespmem:$0x1F500] =	vst v63  }
0x142: {  	_ =	swait.ge [sflag:s22], $0x5000  }
0x143: {  	[sflag:s22] =	ssyncset.done $0x0  }
0x144: {  	s29 =	smov.u32 s13;
	[sflag:s22] =	ssyncadd.s32 $0xFFFFB000  }
0x145: {  	s0 =	sadd.s32 $0x0, s14  }
0x146: {  	[tilespmem:s3], [sflag:$0x1] =	stream.linear.gather [hbm4b:s0+s3], $0xA0, $0x38;
	[tilespmem:$0x1F500] =	vst v63  }
0x147: {  	_ =	swait.ge [sflag:s22], $0xA0  }
0x148: {  	[sflag:s22] =	ssyncset.done $0x0  }
0x149: {  	[sflag:s22] =	ssyncadd.s32 $0xFFFFFF60  }
0x14a: {  	[tilespmem:s23], [sflag:$0x1] =	stream.linear.gather [hbm4b:s13+s3], $0x5000, $0x38;
	[tilespmem:$0x1F500] =	vst v63  }
0x14b: {  	p2 =	por $0x0, $0x0;
	_ =	swait.ge [sflag:s22], $0x5000  }
.Ltmp20:
0x14c: {  	[sflag:s22] =	ssyncset.done $0x0;
	(pc) =	sbr.rel @p2 .LBB2_30-.Ltmp20, $4  }
0x14d: {  	[sflag:s22] =	ssyncadd.s32 $0xFFFFB000  }
0x14e: {  	[spmem:s2] =	stream.indirect.scatter.add.f32 [tilespmem:s23], [sflag:$0x1], $0x80, s3, s24, $0xb8;
	[tilespmem:$0x1F500] =	vst v63  }
0x14f: {  	s28 =	simm.s32 $0x28;
	_ =	swait.ge [sflag:s22], $0x5000  }
0x150: {  	s29 =	sadd.s32 $0xA00, s13;
	p1 =	por $0x1, $0x1;
	[sflag:s22] =	ssyncset.done $0x0  }
.LBB2_31:
0x151: {  	s0 =	sadd.s32 s26, s14  }
0x152: {  	[sflag:s22] =	ssyncadd.s32 $0xFFFFB000;
	s26 =	smov.u32 s28;
	s1 =	sadd.s32 $0x14, s28  }
0x153: {  	[tilespmem:s3], [sflag:$0x1] =	stream.linear.gather [hbm4b:s0+s3], $0xA0, $0x38;
	[tilespmem:$0x1F500] =	vst v63  }
0x154: {  	p2 =	seq.s32 s28, $0x30C;
	_ =	swait.ge [sflag:s22], $0xA0  }
0x155: {  	[sflag:s22] =	ssyncset.done $0x0  }
0x156: {  	[sflag:s22] =	ssyncadd.s32 $0xFFFFFF60  }
0x157: {  	[tilespmem:s23], [sflag:$0x1] =	stream.linear.gather [hbm4b:s29+s3], $0x5000, $0x38;
	[tilespmem:$0x1F500] =	vst v63  }
0x158: {  	_ =	swait.ge [sflag:s22], $0x5000  }
.Ltmp21:
0x159: {  	[sflag:s22] =	ssyncset.done $0x0;
	(pc) =	sbr.rel @!p2 .LBB2_31-.Ltmp21, $4  }
0x15a: {  	[sflag:s22] =	ssyncadd.s32 $0xFFFFB000  }
0x15b: {  	[spmem:s2] =	stream.indirect.scatter.add.f32 [tilespmem:s23], [sflag:$0x1], $0x80, s3, s24, $0xb8;
	[tilespmem:$0x1F500] =	vst v63  }
0x15c: {  	_ =	swait.ge [sflag:s22], $0x5000  }
0x15d: {  	s28 =	smov.u32 s1;
	s29 =	sadd.s32 $0xA00, s29;
	[sflag:s22] =	ssyncset.done $0x0  }
0x15e: {  	s28 =	smov.u32 s26  }
.LBB2_33:
0x15f: {  	s0 =	sadd.s32 s28, s14;
	[sflag:s22] =	ssyncadd.s32 @p1 $0xFFFFB000  }
0x160: {  	[tilespmem:s3], [sflag:$0x1] =	stream.linear.gather [hbm4b:s0+s3], $0xA0, $0x38;
	[tilespmem:$0x1F500] =	vst v63  }
0x161: {  	_ =	swait.ge [sflag:s22], $0xA0  }
0x162: {  	[sflag:s22] =	ssyncset.done $0x0  }
0x163: {  	[sflag:s22] =	ssyncadd.s32 $0xFFFFFF60  }
0x164: {  	[tilespmem:s23], [sflag:$0x1] =	stream.linear.gather [hbm4b:s29+s3], $0x5000, $0x38;
	[tilespmem:$0x1F500] =	vst v63  }
0x165: {  	_ =	swait.ge [sflag:s22], $0x5000  }
0x166: {  	[sflag:s22] =	ssyncset.done $0x0  }
0x167: {  	[sflag:s22] =	ssyncadd.s32 $0xFFFFB000  }
0x168: {  	[spmem:s2] =	stream.indirect.scatter.add.f32 [tilespmem:s23], [sflag:$0x1], $0x80, s3, s24, $0xb8;
	[tilespmem:$0x1F500] =	vst v63  }
0x169: {  	_ =	swait.ge [sflag:s22], $0x5000  }
0x16a: {  	[sflag:s22] =	ssyncset.done $0x0  }
0x16b: {  	[sflag:s22] =	ssyncadd.s32 $0xFFFFB000  }
0x16c: {  	[bflag:$0x0] =	sbarrier.arrive $0xFFFF  }
0x16d: {  	[tilespmem:s21], [sflag:$0x1] =	stream.linear.gather [spmem:s6], $0x1C00, $0x38;
	[tilespmem:$0x1F500] =	vst v63  }
0x16e: {  	_ =	swait.ge [sflag:s22], $0x1C00  }
0x16f: {  	[sflag:s22] =	ssyncset.done $0x0  }
0x170: {  	s31 =	sadd.s32 $0x0, s15;
	[sflag:s22] =	ssyncadd.s32 $0xFFFFE400  }
0x171: {  	[hbm4b:s31+s3] =	stream.linear.scatter [tilespmem:s21], [sflag:$0x1], $0x1C00, $0x38;
	[tilespmem:$0x1F500] =	vst v63  }
0x172: {  	_ =	swait.ge [sflag:s22], $0x1C00  }
0x173: {  	s26 =	simm.s32 $0x380;
	s28 =	smov.u32 s6;
	[sflag:s22] =	ssyncset.done $0x0  }
.LBB2_34:
0x174: {  	p1 =	sne.s32 s26, $0x2D80;
	[sflag:s22] =	ssyncadd.s32 $0xFFFFE400;
	s28 =	sadd.s32 $0x1C00, s28  }
0x175: {  	[tilespmem:s21], [sflag:$0x1] =	stream.linear.gather [spmem:s28], $0x1C00, $0x38;
	[tilespmem:$0x1F500] =	vst v63  }
0x176: {  	s0 =	smov.u32 s26;
	s26 =	sadd.s32 $0x380, s26;
	_ =	swait.ge [sflag:s22], $0x1C00  }
.Ltmp22:
0x177: {  	[sflag:s22] =	ssyncset.done $0x0;
	(pc) =	sbr.rel @p1 .LBB2_34-.Ltmp22, $4  }
0x178: {  	s0 =	sadd.s32 s0, s15;
	[sflag:s22] =	ssyncadd.s32 $0xFFFFE400  }
0x179: {  	[hbm4b:s0+s3] =	stream.linear.scatter [tilespmem:s21], [sflag:$0x1], $0x1C00, $0x38;
	[tilespmem:$0x1F500] =	vst v63  }
0x17a: {  	_ =	swait.ge [sflag:s22], $0x1C00  }
0x17b: {  	[sflag:s22] =	ssyncset.done $0x0  }
.Ltmp23:
0x17c: {  	_ = 	snop;
	(pc) =	sbr.rel .LBB2_35-.Ltmp23, $1  }
0x17d: {  	_ =	sdelay $0x3  }
.LBB2_10:
.Ltmp24:
0x17e: {  	(pc) =	sbr.rel .LBB2_12-.Ltmp24, $2  }
0x17f: {  	_ =	sdelay $0x2  }
0x180: {  	s30 =	simm.s32 $0x14  }
.LBB2_14:
.Ltmp25:
0x181: {  	(pc) =	sbr.rel .LBB2_17-.Ltmp25, $2  }
0x182: {  	_ =	sdelay $0x2  }
0x183: {  	s28 =	simm.s32 $0x14  }
.LBB2_26:
.Ltmp26:
0x184: {  	(pc) =	sbr.rel .LBB2_28-.Ltmp26, $2  }
0x185: {  	_ =	sdelay $0x2  }
0x186: {  	s30 =	simm.s32 $0x14  }
.LBB2_30:
.Ltmp27:
0x187: {  	(pc) =	sbr.rel .LBB2_33-.Ltmp27, $2  }
0x188: {  	_ =	sdelay $0x2  }
0x189: {  	s28 =	simm.s32 $0x14  }
.LBB2_37:
0x18a: {  	_ =	sfence.sel $0x180000  }
0x18b: {  	[bflag:$0x0] =	sbarrier.arrive $0xFFFF  }
0x18c: {  	_ =	strace $0x9000004D  }
0x18d: {  	s0 =	stileid.u32;
	[bflag:$0x2] =	sbarrier.arrive $0xFFFF  }
0x18e: {  	p0 =	sne.s32 s0, $0x0;
	s0 =	rddreg [dreg:$0x3]  }
0x18f: {  	s0 =	sadd.s32 @!p0 $0x100000, s0  }
0x190: {  	[sflag:s0] =	ssyncadd.tile.s32 @!p0 $0x1;
	_ =	shalt  }
.Lfunc_end2:
_tile_overlayer_lowered:
.L_overlay_start_2:
0x191: {  	(tag) =	ssettag $0x2  }
0x192: {  	s0 =	rddreg [dreg:$0x0];
	s2 =	stileid.u32  }
0x193: {  	s1 =	rddreg [dreg:$0x1];
	p0 =	sne.s32 s2, $0x0  }
0x194: {  	s3 =	rddreg [dreg:$0x2];
	[bflag:$0x3] =	sbarrier.arrive $0xFFFF;
	s2 =	simm.s32 @!p0 $0x1C01  }
0x195: {  	[timem:s3], [sflag:s2] =	dma.local @!p0 [hbm:s0], s1  }
0x196: {  	s0 =	simm.s32 @!p0 $0x1  }
0x197: {  	_ =	swait.ge @!p0 [sflag:s0], s1  }
0x198: {  	s1 =	ssub.s32 @!p0 $0x0, s1;
	[sflag:s0] =	ssyncset.done @!p0 $0x0  }
0x199: {  	[sflag:s0] =	ssyncadd.s32 @!p0 s1  }
0x19a: {  	[bflag:$0x3] =	sbarrier.arrive $0xFFFF  }
0x19b: {  	_ =	shalt  }

// kernel: kernel.8.cloned.1.call-start
scs
__scs_entry_jumppad:
0x0: {  	(pc) =	sbr.rel $0x88, $3  }
0x1: {  	(tag) =	ssettag $0x0;
	lr =	simm.s32 $0x1  }
0x2: {  	[smem:$0x3F97] =	sst lr;
	_ =	strace $0xD0000000  }
0x3: {  	_ = 	snop  }
0x4: {  	_ = 	snop  }
0x5: {  	_ = 	snop  }
0x6: {  	_ = 	snop  }
0x7: {  	_ = 	snop  }
__scs_overlays_trampoline_lowered:
0x8: {  	[smem:$0x3FA6] =	sst s0  }
0x9: {  	[smem:$0x3FA7] =	sst s1  }
0xa: {  	[smem:$0x3FA8] =	sst s2  }
0xb: {  	[smem:$0x3FA9] =	sst s3  }
0xc: {  	[smem:$0x3FAA] =	sst s4  }
0xd: {  	[smem:$0x3FAB] =	sst s5  }
0xe: {  	[smem:$0x3FAC] =	sst s6  }
0xf: {  	[smem:$0x3FAD] =	sst s7  }
0x10: {  	[smem:$0x3FAE] =	sst s8  }
0x11: {  	[smem:$0x3FAF] =	sst s9;
	s0 =	simm.s32 @!p0 $0x0  }
0x12: {  	s1 =	sld [smem:$0x3F95];
	s0 =	simm.s32 @p0 $0x1  }
0x13: {  	[smem:$0x3FB0] =	sst s0;
	s0 =	simm.s32 @!p1 $0x0  }
0x14: {  	s2 =	sld [smem:$0x3F94];
	s0 =	simm.s32 @p1 $0x1  }
0x15: {  	[smem:$0x3FB1] =	sst s0;
	s0 =	simm.s32 @!p2 $0x0  }
0x16: {  	s3 =	sld [smem:$0x3FDB];
	s0 =	simm.s32 @p2 $0x1  }
0x17: {  	s4 =	simm.s32 $0x1BF5;
	[smem:$0x3FB3] =	sst s0  }
0x18: {  	s0 =	sld [smem:$0x3F96];
	_ =	swait.ge [sflag:s4], $0x0  }
0x19: {  	s7 =	sld [smem:$0x3F97]  }
0x1a: {  	s8 =	sadd.s32 $0xFFFFE003, lr  }
0x1b: {  	s9 =	sadd.s32 $0xFFFFFEF7, lr;
	s5 =	simm.s32 $0xFFFFFFFF;
	p2 =	slt.u32 s8, $0xFFFFF086  }
0x1c: {  	p1 =	slt.u32 s9, $0xF7A;
	s5 =	simm.s32 @!p2 $0x0  }
0x1d: {  	s5 =	simm.s32 @p1 $0x1;
	p0 =	seq.s32 s7, s2  }
0x1e: {  	s7 =	smul.u32 @!p0 $0xF7A, s2;
	p2 =	seq.s32 @!p0 s5, $0x0  }
0x1f: {  	s9 =	smul.u32 $0xF7A, s1;
	s8 =	simm.s32 @!p0 $0x1BF5;
	p2 =	por !p2, p0  }
0x20: {  	[sflag:s8] =	ssyncset.s32 @!p0 $0xFFFFF086;
	s6 =	sadd.s32 @!p0 s3, s7;
	s7 =	simm.s32 @!p0 $0x108  }
0x21: {  	s3 =	sadd.s32 s3, s9;
	s6 =	sadd.s32 @!p0 $0x88, s6;
	s7 =	simm.s32 @p2 $0x1082  }
0x22: {  	[simem:s7], [sflag:s8] =	dma.local @!p0 [hbm:s6], $0xF7A  }
0x23: {  	s9 =	sor.u32 $0xD0000000, s2;
	s6 =	simm.s32 $0x108;
	_ =	swait.ge @!p0 [sflag:s8], $0x0  }
0x24: {  	s3 =	sadd.s32 $0x88, s3;
	s6 =	simm.s32 @!p1 $0x1082;
	[sflag:s4] =	ssyncset.s32 $0xFFFFF086  }
0x25: {  	[simem:s6], [sflag:s4] =	dma.local [hbm:s3], $0xF7A  }
0x26: {  	[smem:$0x3F97] =	sst s1;
	(tag) =	ssettag s2;
	_ =	strace s9  }
0x27: {  	s1 =	sld [smem:$0x3FA7]  }
0x28: {  	s2 =	sld [smem:$0x3FA8]  }
0x29: {  	s4 =	sld [smem:$0x3FAA]  }
0x2a: {  	p0 =	seq.s32 s5, $0x0;
	s5 =	sld [smem:$0x3FAB]  }
0x2b: {  	s6 =	sld [smem:$0x3FAC]  }
0x2c: {  	s7 =	sld [smem:$0x3FAD]  }
0x2d: {  	s3 =	simm.s32 $0x108;
	s8 =	sld [smem:$0x3FAE]  }
0x2e: {  	s3 =	simm.s32 @!p0 $0x1082;
	s9 =	sld [smem:$0x3FAF]  }
0x2f: {  	lr =	sadd.s32 s0, s3;
	s0 =	sld [smem:$0x3FA6]  }
0x30: {  	s3 =	sld [smem:$0x3FA9]  }
0x31: {  	[smem:$0x3FB2] =	sst s10  }
0x32: {  	s10 =	sld [smem:$0x3FB0];
	_ =	sdelay $0x3  }
0x33: {  	p0 =	seq.s32 s10, $0x1;
	s10 =	sld [smem:$0x3FB2];
	_ =	sdelay $0x3  }
0x34: {  	[smem:$0x3FB2] =	sst s10  }
0x35: {  	s10 =	sld [smem:$0x3FB1];
	_ =	sdelay $0x3  }
0x36: {  	p1 =	seq.s32 s10, $0x1;
	s10 =	sld [smem:$0x3FB2];
	_ =	sdelay $0x3  }
0x37: {  	[smem:$0x3FB2] =	sst s10  }
0x38: {  	s10 =	sld [smem:$0x3FB3]  }
0x39: {  	_ = 	snop;
	(pc) =	sbr.ind lr, $3  }
0x3a: {  	_ = 	snop  }
0x3b: {  	_ = 	snop  }
0x3c: {  	p2 =	seq.s32 s10, $0x1;
	s10 =	sld [smem:$0x3FB2]  }
0x3d: {  	_ =	shalt  }
0x3e: {  	_ =	shalt  }
0x3f: {  	_ =	shalt  }
0x40: {  	_ =	shalt  }
0x41: {  	_ =	shalt  }
0x42: {  	_ =	shalt  }
0x43: {  	_ =	shalt  }
0x44: {  	_ =	shalt  }
0x45: {  	_ =	shalt  }
0x46: {  	_ =	shalt  }
0x47: {  	_ =	shalt  }
0x48: {  	_ =	shalt  }
0x49: {  	_ =	shalt  }
0x4a: {  	_ =	shalt  }
0x4b: {  	_ =	shalt  }
0x4c: {  	_ =	shalt  }
0x4d: {  	_ =	shalt  }
0x4e: {  	_ =	shalt  }
0x4f: {  	_ =	shalt  }
0x50: {  	_ =	shalt  }
0x51: {  	_ =	shalt  }
0x52: {  	_ =	shalt  }
0x53: {  	_ =	shalt  }
0x54: {  	_ =	shalt  }
0x55: {  	_ =	shalt  }
0x56: {  	_ =	shalt  }
0x57: {  	_ =	shalt  }
0x58: {  	_ =	shalt  }
0x59: {  	_ =	shalt  }
0x5a: {  	_ =	shalt  }
0x5b: {  	_ =	shalt  }
0x5c: {  	_ =	shalt  }
0x5d: {  	_ =	shalt  }
0x5e: {  	_ =	shalt  }
0x5f: {  	_ =	shalt  }
0x60: {  	_ =	shalt  }
0x61: {  	_ =	shalt  }
0x62: {  	_ =	shalt  }
0x63: {  	_ =	shalt  }
0x64: {  	_ =	shalt  }
0x65: {  	_ =	shalt  }
0x66: {  	_ =	shalt  }
0x67: {  	_ =	shalt  }
0x68: {  	_ =	shalt  }
0x69: {  	_ =	shalt  }
0x6a: {  	_ =	shalt  }
0x6b: {  	_ =	shalt  }
0x6c: {  	_ =	shalt  }
0x6d: {  	_ =	shalt  }
0x6e: {  	_ =	shalt  }
0x6f: {  	_ =	shalt  }
0x70: {  	_ =	shalt  }
0x71: {  	_ =	shalt  }
0x72: {  	_ =	shalt  }
0x73: {  	_ =	shalt  }
0x74: {  	_ =	shalt  }
0x75: {  	_ =	shalt  }
0x76: {  	_ =	shalt  }
0x77: {  	_ =	shalt  }
0x78: {  	_ =	shalt  }
0x79: {  	_ =	shalt  }
0x7a: {  	_ =	shalt  }
0x7b: {  	_ =	shalt  }
0x7c: {  	_ =	shalt  }
0x7d: {  	_ =	shalt  }
0x7e: {  	_ =	shalt  }
0x7f: {  	_ =	shalt  }
0x80: {  	_ =	shalt  }
0x81: {  	_ =	shalt  }
0x82: {  	_ =	shalt  }
0x83: {  	_ =	shalt  }
0x84: {  	_ =	shalt  }
0x85: {  	_ =	shalt  }
0x86: {  	_ =	shalt  }
0x87: {  	_ =	shalt  }
.Lfunc_end0:
.L_simem_size_0:
called_computation_lowered:
.L_overlay_start_0:
0x88: {  	s2 =	sld [smem:$0x3FD9]  }
0x89: {  	s3 =	sld [smem:$0x3FFE];
	_ =	sdelay $0x1  }
0x8a: {  	s1 =	srdreg.scid  }
0x8b: {  	s0 =	sand.u32 $0x1, s1  }
0x8c: {  	s16 =	sshll.u32 s0, $0xA;
	s2 =	sadd.s32 s3, s2  }
0x8d: {  	s2 =	sadd.s32 s2, s16  }
0x8e: {  	[smem:$0x3FBE] =	sst s2  }
0x8f: {  	_ = 	snop  }
0x90: {  	(tm) =	ssettm $0x1  }
0x91: {  	s17 =	sld [smem:$0x3FFB];
	_ =	sdelay $0x3  }
0x92: {  	_ =	strace s17  }
0x93: {  	s2 =	sld [smem:$0x3FFC];
	_ =	sdelay $0x3  }
0x94: {  	_ =	strace s2  }
0x95: {  	s2 =	sld [smem:$0x3FFD];
	_ =	sdelay $0x3  }
0x96: {  	_ =	strace s2  }
0x97: {  	_ =	strace $0x8FFFFFFF  }
0x98: {  	s18 =	sld [smem:$0x3FDB];
	_ =	sdelay $0x1  }
0x99: {  	s19 =	simm.s32 $_scs_section_size  }
0x9a: {  	s4 =	simm.s32 $_size__tile_overlayer_lowered;
	s5 =	simm.s32 $_tile_overlayer_lowered  }
0x9b: {  	s22 =	simm.s32 $0x1BFF;
	s21 =	sshll.u32 s5, $0x1;
	s2 =	sadd.s32 s19, s18  }
0x9c: {  	s6 =	simm.s32 $0x0;
	s20 =	sshll.u32 s4, $0x1;
	s4 =	sadd.s32 s21, s2  }
0x9d: {  	[timem:s6], [sflag:s22] =	dma.local [hbm:s4], s20  }
0x9e: {  	_ =	swait.ge [sflag:s22], s20  }
0x9f: {  	s3 =	ssub.s32 $0x0, s20;
	[sflag:s22] =	ssyncset.done $0x0  }
0xa0: {  	[sflag:s22] =	ssyncadd.s32 s3;
	_ =	sdelay $0x1  }
0xa1: {  	s23 =	simm.s32 $0x1B8B  }
0xa2: {  	_ =	swait.ge [sflag:s23], $0x1  }
0xa3: {  	[sflag:s23] =	ssyncset.done $0x0  }
0xa4: {  	s25 =	simm.s32 $0x1B8E;
	s24 =	sld [smem:$0x3FFE];
	[sflag:s23] =	ssyncadd.s32 $0xFFFFFFFF  }
0xa5: {  	s26 =	simm.s32 $execute0_lowered;
	[smem:$0x3FD2] =	sst s25  }
0xa6: {  	s4 =	sshll.u32 s26, $0x1;
	_ =	strace $0x80000046;
	[dreg:$0x1] =	wrdreg $0xFFFFFFFF  }
0xa7: {  	s28 =	simm.s32 $_size_execute0_lowered;
	s2 =	sadd.s32 s2, s4;
	[dreg:$0x0] =	wrdreg $0x0  }
0xa8: {  	s4 =	sshll.u32 s28, $0x1;
	[dreg:$0x2] =	wrdreg s2  }
0xa9: {  	[dreg:$0x3] =	wrdreg s4  }
0xaa: {  	[dreg:$0x4] =	wrdreg $0xC0  }
0xab: {  	_ =	task [dreg:s6], $0x5FFFF  }
0xac: {  	[dreg:$0x1] =	wrdreg $0xFFFFFFFF  }
0xad: {  	[dreg:$0x0] =	wrdreg $0x60  }
0xae: {  	[dreg:$0x2] =	wrdreg s24  }
0xaf: {  	[dreg:$0x3] =	wrdreg $0x64000  }
0xb0: {  	[dreg:$0x4] =	wrdreg $0x9  }
0xb1: {  	_ =	task.clear_ibuf [dreg:s6], $0x5FFFF;
	_ =	strace $0x90000046  }
0xb2: {  	s29 =	simm.s32 $0x9;
	_ =	strace $0x80000048  }
0xb3: {  	_ =	swait.ge [sflag:s29], $0x1  }
0xb4: {  	[sflag:s29] =	ssyncadd.s32 $0xFFFFFFFF  }
0xb5: {  	_ =	strace $0x90000048  }
0xb6: {  	_ =	sfence  }
0xb7: {  	s30 =	sld [smem:$0x0];
	_ =	sdelay $0x2  }
0xb8: {  	s31 =	sshll.u32 s1, $0xD;
	s1 =	sshrl.u32 s1, $0x2  }
0xb9: {  	s3 =	sand.u32 $0x4000, s31;
	s1 =	sadd.s32 s1, s30  }
0xba: {  	s0 =	sor.u32 s3, s0;
	s1 =	sshll.u32 s1, $0x11  }
0xbb: {  	s0 =	sor.u32 s1, s0  }
0xbc: {  	s0 =	sadd.s32 $0x8F2B, s0  }
0xbd: {  	[sflag:s0] =	ssyncadd.remote.s32 $0x1  }
0xbe: {  	_ =	sfence.sel $0xFFFF  }
0xbf: {  	[dreg:$0x0] =	wrdreg $0xFFFFFFFF;
	(pc) =	sbr.abs _section_cstart, $3  }
0xc0: {  	[dreg:$0x1] =	wrdreg $0xFFFFFFFF  }
0xc1: {  	_ =	task.clear_ibuf [dreg:s6], $0x2FFFF;
	_ =	strace $0x9FFFFFFF  }
0xc2: {  	(tm) =	ssettm $0x7FFFFFFF  }
0xc3: {  	_ =	shalt  }
tec
execute0_lowered:
.L_overlay_start_1:
0x0: {  	(tag) =	ssettag $0x1  }
0x1: {  	s0 =	stileid.u32  }
0x2: {  	s9 =	rddreg [dreg:$0x0];
	s7 =	smul.u32 $0xC40, s0  }
0x3: {  	s2 =	rddreg [dreg:$0x1]  }
0x4: {  	s1 =	rddreg [dreg:$0x2];
	s3 =	simm.s32 $0x0;
	s4 =	sshrl.u32 s7, $0x3  }
0x5: {  	s6 =	simm.s32 $0x3200;
	[smem:$0x7FF] =	sst s3;
	s10 =	sadd.s32 s4, s9  }
0x6: {  	s5 =	simm.s32 $0x1;
	_ =	strace $0x80000047;
	s4 =	sadd.s32 $0xF000, s10  }
0x7: {  	[tilespmem:s6], [sflag:$0x1] =	stream.linear.gather [hbm4b:s4+s3], $0xC40, $0x38;
	[tilespmem:$0x7040] =	vst v63  }
0x8: {  	s8 =	srdreg.scid;
	_ =	swait.ge [sflag:s5], $0xC40  }
0x9: {  	s11 =	sand.u32 $0x1, s8;
	s30 =	sshll.u32 s0, $0x1;
	[sflag:s5] =	ssyncset.done $0x0  }
0xa: {  	s8 =	sor.u32 s11, s30;
	s7 =	sadd.s32 s7, s2;
	[sflag:s5] =	ssyncadd.s32 $0xFFFFF3C0  }
0xb: {  	[spmem:s7] =	stream.linear.scatter [tilespmem:s6], [sflag:$0x1], $0xC40, $0x38;
	[tilespmem:$0x7040] =	vst v63  }
0xc: {  	s8 =	smul.u32 $0x640, s8;
	_ =	swait.ge [sflag:s5], $0xC40  }
0xd: {  	[sflag:s5] =	ssyncset.done $0x0  }
0xe: {  	s8 =	sadd.s32 s8, s9;
	[sflag:s5] =	ssyncadd.s32 $0xFFFFF3C0  }
0xf: {  	s8 =	sadd.s32 $0x2800, s8;
	[bflag:$0x0] =	sbarrier.arrive $0xFFFF  }
0x10: {  	[tilespmem:s3], [sflag:$0x1] =	stream.linear.gather [hbm4b:s8+s3], $0x3200, $0x38;
	[tilespmem:$0x7040] =	vst v63  }
0x11: {  	_ =	swait.ge [sflag:s5], $0x3200  }
0x12: {  	[sflag:s5] =	ssyncset.done $0x0  }
0x13: {  	s9 =	sadd.s32 $0x10A00, s9;
	[sflag:s5] =	ssyncadd.s32 $0xFFFFCE00  }
0x14: {  	[tilespmem:s6], [sflag:$0x1] =	stream.linear.gather [hbm4b:s9+s3], $0x3200, $0x38;
	[tilespmem:$0x7040] =	vst v63  }
0x15: {  	_ =	swait.ge [sflag:s5], $0x3200  }
0x16: {  	[sflag:s5] =	ssyncset.done $0x0  }
0x17: {  	[sflag:s5] =	ssyncadd.s32 $0xFFFFCE00  }
0x18: {  	[spmem:s2] =	stream.indirect.scatter.add.f32 [tilespmem:s6], [sflag:$0x1], $0x1, s3, s6, $0xb8;
	[tilespmem:$0x7040] =	vst v63  }
0x19: {  	s12 =	ssub.s32 $0x2, s11;
	_ =	swait.ge [sflag:s5], $0x3200  }
0x1a: {  	s13 =	sshrl.u32 s12, $0x1;
	[sflag:s5] =	ssyncset.done $0x0  }
0x1b: {  	p0 =	seq.s32 s11, $0x1;
	s12 =	ssub.s32 s12, s13;
	[sflag:s5] =	ssyncadd.s32 $0xFFFFCE00  }
0x1c: {  	s11 =	simm.s32 $0x12C00;
	s31 =	smax.u32 s12, $0x1;
	[bflag:$0x0] =	sbarrier.arrive $0xFFFF  }
0x1d: {  	[tilespmem:s6], [sflag:$0x1] =	stream.linear.gather [spmem:s7], $0xC40, $0x38;
	[tilespmem:$0x7040] =	vst v63  }
0x1e: {  	s11 =	simm.s32 @!p0 $0x11200;
	p0 =	sne.s32 s31, $0x1;
	_ =	swait.ge [sflag:s5], $0xC40  }
.Ltmp0:
0x1f: {  	[sflag:s5] =	ssyncset.done $0x0;
	(pc) =	sbr.rel @!p0 .LBB2_2-.Ltmp0, $4  }
0x20: {  	s10 =	sadd.s32 s11, s10;
	[sflag:s5] =	ssyncadd.s32 $0xFFFFF3C0  }
0x21: {  	[hbm4b:s10+s3] =	stream.linear.scatter [tilespmem:s6], [sflag:$0x1], $0xC40, $0x38;
	[tilespmem:$0x7040] =	vst v63  }
0x22: {  	_ =	swait.ge [sflag:s5], $0xC40  }
0x23: {  	s11 =	sadd.s32 $0xFFFFFFFF, s31;
	[sflag:s5] =	ssyncset.done $0x0  }
.LBB2_1:
0x24: {  	p0 =	sne.s32 s11, $0x1;
	s11 =	sadd.s32 $0xFFFFFFFF, s11;
	[sflag:s5] =	ssyncadd.s32 $0xFFFFF3C0  }
0x25: {  	[tilespmem:s6], [sflag:$0x1] =	stream.linear.gather [hbm4b:s4+s3], $0xC40, $0x38;
	[tilespmem:$0x7040] =	vst v63  }
0x26: {  	_ =	swait.ge [sflag:s5], $0xC40  }
0x27: {  	[sflag:s5] =	ssyncset.done $0x0  }
0x28: {  	[sflag:s5] =	ssyncadd.s32 $0xFFFFF3C0  }
0x29: {  	[spmem:s7] =	stream.linear.scatter [tilespmem:s6], [sflag:$0x1], $0xC40, $0x38;
	[tilespmem:$0x7040] =	vst v63  }
0x2a: {  	_ =	swait.ge [sflag:s5], $0xC40  }
0x2b: {  	[sflag:s5] =	ssyncset.done $0x0  }
0x2c: {  	[sflag:s5] =	ssyncadd.s32 $0xFFFFF3C0  }
0x2d: {  	[bflag:$0x0] =	sbarrier.arrive $0xFFFF  }
0x2e: {  	[tilespmem:s3], [sflag:$0x1] =	stream.linear.gather [hbm4b:s8+s3], $0x3200, $0x38;
	[tilespmem:$0x7040] =	vst v63  }
0x2f: {  	_ =	swait.ge [sflag:s5], $0x3200  }
0x30: {  	[sflag:s5] =	ssyncset.done $0x0  }
0x31: {  	[sflag:s5] =	ssyncadd.s32 $0xFFFFCE00  }
0x32: {  	[tilespmem:s6], [sflag:$0x1] =	stream.linear.gather [hbm4b:s9+s3], $0x3200, $0x38;
	[tilespmem:$0x7040] =	vst v63  }
0x33: {  	_ =	swait.ge [sflag:s5], $0x3200  }
0x34: {  	[sflag:s5] =	ssyncset.done $0x0  }
0x35: {  	[sflag:s5] =	ssyncadd.s32 $0xFFFFCE00  }
0x36: {  	[spmem:s2] =	stream.indirect.scatter.add.f32 [tilespmem:s6], [sflag:$0x1], $0x1, s3, s6, $0xb8;
	[tilespmem:$0x7040] =	vst v63  }
0x37: {  	_ =	swait.ge [sflag:s5], $0x3200  }
0x38: {  	[sflag:s5] =	ssyncset.done $0x0  }
0x39: {  	[sflag:s5] =	ssyncadd.s32 $0xFFFFCE00  }
0x3a: {  	[bflag:$0x0] =	sbarrier.arrive $0xFFFF  }
0x3b: {  	[tilespmem:s6], [sflag:$0x1] =	stream.linear.gather [spmem:s7], $0xC40, $0x38;
	[tilespmem:$0x7040] =	vst v63  }
0x3c: {  	_ =	swait.ge [sflag:s5], $0xC40  }
.Ltmp1:
0x3d: {  	[sflag:s5] =	ssyncset.done $0x0;
	(pc) =	sbr.rel @p0 .LBB2_1-.Ltmp1, $4  }
0x3e: {  	[sflag:s5] =	ssyncadd.s32 $0xFFFFF3C0  }
0x3f: {  	[hbm4b:s10+s3] =	stream.linear.scatter [tilespmem:s6], [sflag:$0x1], $0xC40, $0x38;
	[tilespmem:$0x7040] =	vst v63  }
0x40: {  	_ =	swait.ge [sflag:s5], $0xC40  }
0x41: {  	[sflag:s5] =	ssyncset.done $0x0  }
.LBB2_2:
0x42: {  	[sflag:s5] =	ssyncadd.s32 $0xFFFFF3C0  }
0x43: {  	_ =	sfence.sel $0x180000  }
0x44: {  	[bflag:$0x0] =	sbarrier.arrive $0xFFFF  }
0x45: {  	p0 =	sne.s32 s0, $0x0;
	_ =	strace $0x90000047  }
0x46: {  	s0 =	sadd.s32 @!p0 $0x100000, s1;
	[bflag:$0x2] =	sbarrier.arrive $0xFFFF  }
0x47: {  	[sflag:s0] =	ssyncadd.tile.s32 @!p0 $0x1;
	_ =	shalt  }
.Lfunc_end2:
_tile_overlayer_lowered:
.L_overlay_start_2:
0x48: {  	(tag) =	ssettag $0x2  }
0x49: {  	s0 =	rddreg [dreg:$0x0];
	s2 =	stileid.u32  }
0x4a: {  	s1 =	rddreg [dreg:$0x1];
	p0 =	sne.s32 s2, $0x0  }
0x4b: {  	s3 =	rddreg [dreg:$0x2];
	[bflag:$0x3] =	sbarrier.arrive $0xFFFF;
	s2 =	simm.s32 @!p0 $0x1C01  }
0x4c: {  	[timem:s3], [sflag:s2] =	dma.local @!p0 [hbm:s0], s1  }
0x4d: {  	s0 =	simm.s32 @!p0 $0x1  }
0x4e: {  	_ =	swait.ge @!p0 [sflag:s0], s1  }
0x4f: {  	s1 =	ssub.s32 @!p0 $0x0, s1;
	[sflag:s0] =	ssyncset.done @!p0 $0x0  }
0x50: {  	[sflag:s0] =	ssyncadd.s32 @!p0 s1  }
0x51: {  	[bflag:$0x3] =	sbarrier.arrive $0xFFFF  }
0x52: {  	_ =	shalt  }

</sc_bundles>
